<compile_context>
chip_gen: v7x
topology: tpu7x:2x2x1
jax: 0.10.2.dev20260603
libtpu: 0.0.44.dev20260713+nightly
codegen_flags: <defaults>
</compile_context>

<pallas_src>
import functools

import jax
import jax.numpy as jnp
from jax import lax
from jax.experimental import pallas as pl
from jax.experimental.pallas import tpu as pltpu
from jax.experimental.pallas import tpu_sc as plsc

N = 10000
E = 160000
IN_F = 512
OUT_F = 256
HALF = 128

NUM_CORES = 2
NUM_TILES = 16
CHUNK = 128
E_PAD = 163840
EDGES_PER_TILE = E_PAD // NUM_TILES
CPT = EDGES_PER_TILE // CHUNK
PHASES = 2
CPP = CPT // PHASES
NBUF = 2
ACC_ROWS = 10008
OUT_ROWS_FULL = 640
OUT_ROWS_LAST = N - 15 * OUT_ROWS_FULL

RBLK = 10000
RB = N // RBLK


def _mm_body(x_ref, w_ref, o_ref):
    o_ref[...] = lax.dot_general(
        x_ref[...], w_ref[...],
        (((1,), (1,)), ((), ())),
        preferred_element_type=jnp.float32,
    )


_matmul = pl.pallas_call(
    _mm_body,
    grid=(NUM_CORES, RB),
    in_specs=[
        pl.BlockSpec((RBLK, IN_F), lambda c, r: (r, 0)),
        pl.BlockSpec((HALF, IN_F), lambda c, r: (c, 0)),
    ],
    out_specs=pl.BlockSpec((RBLK, HALF), lambda c, r: (c * RB + r, 0)),
    out_shape=jax.ShapeDtypeStruct((NUM_CORES * N, HALF), jnp.float32),
)


@functools.partial(
    pl.kernel,
    out_type=jax.ShapeDtypeStruct((N, OUT_F), jnp.float32),
    mesh=plsc.VectorSubcoreMesh(core_axis_name="c", subcore_axis_name="s"),
    scratch_types=[
        pltpu.VMEM((CPP, CHUNK), jnp.int32),
        pltpu.VMEM((CPP, CHUNK), jnp.int32),
        pltpu.VMEM((NBUF, CHUNK, HALF), jnp.float32),
        pltpu.VMEM_SHARED((ACC_ROWS, HALF), jnp.float32),
        pltpu.SemaphoreType.DMA((NBUF,)),
        pltpu.SemaphoreType.DMA((NBUF,)),
    ],
)
def _sc_aggregate(h2_hbm, srcp_hbm, dstp_hbm, out_hbm,
                  src_half, dst_half, rows, accum, gsem, ssem):
    c = lax.axis_index("c")
    s = lax.axis_index("s")

    zvec = jnp.zeros((16,), jnp.float32)

    def clr(i, carry):
        rows[0, i >> 3, pl.ds((i & 7) * 16, 16)] = zvec
        return carry

    lax.fori_loop(0, CHUNK * HALF // 16, clr, 0)

    @pl.when(s < NUM_TILES - 1)
    def _():
        for k in range(5):
            pltpu.sync_copy(
                rows.at[0],
                accum.at[pl.ds(s * OUT_ROWS_FULL + k * CHUNK, CHUNK)])

    @pl.when(s == NUM_TILES - 1)
    def _():
        base = (NUM_TILES - 1) * OUT_ROWS_FULL
        for k in range(3):
            pltpu.sync_copy(rows.at[0],
                            accum.at[pl.ds(base + k * CHUNK, CHUNK)])
        pltpu.sync_copy(rows.at[0, pl.ds(0, 16)],
                        accum.at[pl.ds(base + 3 * CHUNK, 16)])

    plsc.subcore_barrier()

    def start_gather(j, b):
        pltpu.make_async_copy(
            h2_hbm.at[src_half.at[j]], rows.at[b], gsem.at[b]).start()

    def wait_gather(j, b):
        pltpu.make_async_copy(
            h2_hbm.at[src_half.at[j]], rows.at[b], gsem.at[b]).wait()

    def start_scatter(j, b):
        pltpu.make_async_copy(
            rows.at[b], accum.at[dst_half.at[j]], ssem.at[b]).start(add=True)

    def wait_scatter(j, b):
        pltpu.make_async_copy(
            rows.at[b], accum.at[dst_half.at[j]], ssem.at[b]).wait()

    def run_phase(p):
        pltpu.sync_copy(srcp_hbm.at[c, s, pl.ds(p * CPP, CPP)], src_half)
        pltpu.sync_copy(dstp_hbm.at[s, pl.ds(p * CPP, CPP)], dst_half)
        start_gather(0, 0)

        def body(i, carry):
            b = lax.rem(i, NBUF)
            nb = lax.rem(i + 1, NBUF)

            @pl.when(i >= 1)
            def _():
                wait_scatter(i - 1, nb)

            @pl.when(i + 1 < CPP)
            def _():
                start_gather(i + 1, nb)

            wait_gather(i, b)
            start_scatter(i, b)
            return carry

        lax.fori_loop(0, CPP, body, 0)
        wait_scatter(CPP - 1, lax.rem(CPP - 1, NBUF))

    for p in range(PHASES):
        run_phase(p)
    plsc.subcore_barrier()

    @pl.when(s < NUM_TILES - 1)
    def _():
        pltpu.sync_copy(
            accum.at[pl.ds(s * OUT_ROWS_FULL, OUT_ROWS_FULL)],
            out_hbm.at[pl.ds(s * OUT_ROWS_FULL, OUT_ROWS_FULL),
                       pl.ds(c * HALF, HALF)],
        )

    @pl.when(s == NUM_TILES - 1)
    def _():
        base = (NUM_TILES - 1) * OUT_ROWS_FULL
        pltpu.sync_copy(
            accum.at[pl.ds(base, OUT_ROWS_LAST)],
            out_hbm.at[pl.ds(base, OUT_ROWS_LAST), pl.ds(c * HALF, HALF)],
        )


def kernel(x, edge_index, W):
    h2 = _matmul(x, W)
    src = edge_index[0]
    dst = edge_index[1]
    pad = E_PAD - E
    src_p = jnp.concatenate([src, jnp.zeros((pad,), jnp.int32)])
    srcp = jnp.stack([src_p, src_p + N]).reshape(NUM_CORES, NUM_TILES, CPT, CHUNK)
    dstp = jnp.concatenate([dst, jnp.full((pad,), N, jnp.int32)])
    dstp = dstp.reshape(NUM_TILES, CPT, CHUNK)
    return _sc_aggregate(h2, srcp, dstp)

# --- scband reference (transcript-rebuilt; emitter-appended) ---
"""Pipeline reference for scband-mklgcninference-1915555414596 (READ-ONLY COPY).

The authoritative reference and input builder live on the scoring server;
editing this copy changes nothing except your own understanding.
"""

import jax, jax.numpy as jnp
import numpy as np

N = 10000
E = 160000
IN_F = 512
OUT_F = 256


def setup_inputs(seed: int = 0) -> dict:
    key = jax.random.key(seed)
    k1, k2, k3 = jax.random.split(key, 3)
    x = jax.random.normal(k1, (N, IN_F), dtype=jnp.float32)
    edge_index = jax.random.randint(k2, (2, E), 0, N, dtype=jnp.int32)
    # Linear(in_features=512, out_features=256, bias=False) weight: [out, in]
    W = jax.random.normal(k3, (OUT_F, IN_F), dtype=jnp.float32) * 0.02
    return {"x": x, "edge_index": edge_index, "W": W}


def reference(x, edge_index, W):
    # x = self.lin(x)
    h = x @ W.T
    # self.a.matmul(x, self.y): sparse adjacency matmul y = A @ h,
    # i.e. for each edge (src -> dst): y[dst] += h[src]
    src = edge_index[0]
    dst = edge_index[1]
    gathered = jnp.take(h, src, axis=0)
    y = jax.ops.segment_sum(gathered, dst, num_segments=N)
    return y

if __name__ == "__main__":
    import jax
    _d = setup_inputs()
    print(jax.jit(kernel)(*tuple(_d.values())))

</pallas_src>

<mosaic_0001>
#map = affine_map<(d0, d1) -> (0, 0)>
#map1 = affine_map<(d0, d1) -> (0, 0, 0, 0)>
#map2 = affine_map<(d0, d1) -> (0, 0, 0)>
module attributes {stable_mosaic.version = 14 : i64} {
  func.func @_sc_aggregate(%arg0: i32, %arg1: i32, %arg2: memref<20000x128xf32, #tpu.memory_space<hbm>>, %arg3: memref<2x16x80x128xi32, #tpu.memory_space<hbm>>, %arg4: memref<16x80x128xi32, #tpu.memory_space<hbm>>, %arg5: memref<10000x256xf32, #tpu.memory_space<hbm>>, %arg6: memref<40x128xi32, #tpu.memory_space<vmem>>, %arg7: memref<40x128xi32, #tpu.memory_space<vmem>>, %arg8: memref<2x128x128xf32, #tpu.memory_space<vmem>>, %arg9: memref<10008x128xf32, #tpu.memory_space<vmem_shared>>, %arg10: memref<2x!tpu.dma_semaphore, #tpu.memory_space<semaphore_mem>>, %arg11: memref<2x!tpu.dma_semaphore, #tpu.memory_space<semaphore_mem>>) attributes {dimension_semantics = [#tpu.dimension_semantics<core_parallel>, #tpu.dimension_semantics<subcore_parallel>], iteration_bounds = array<i64: 2, 16>, scalar_prefetch = 0 : i64, scratch_operands = 6 : i64, tpu.core_type = #tpu.core_type<sc_vector_subcore>, window_params = [{transform_indices = #map}, {transform_indices = #map1}, {transform_indices = #map2}, {transform_indices = #map}]} {
    %broadcast_in_dim3A = arith.constant 0.000000e+00 : f32
    %broadcast_in_dim3A_0 = vector.broadcast %broadcast_in_dim3A : f32 to vector<16xf32>
    %scan3A = arith.constant 0 : i32
    %scan3A_1 = arith.constant 0 : i32
    %scan3A_2 = arith.constant 1024 : i32
    %scan3A_3 = arith.addi %scan3A_1, %scan3A_2 : i32
    %scan3A_4 = arith.constant 1 : i32
    scf.for %scan3A_94 = %scan3A_1 to %scan3A_3 step %scan3A_4  : i32 {
      %shift_right_arithmetic3A = arith.constant 3 : i32
      %shift_right_arithmetic3A_95 = arith.shrsi %scan3A_94, %shift_right_arithmetic3A : i32
      %and3A = arith.constant 7 : i32
      %and3A_96 = arith.andi %scan3A_94, %and3A : i32
      %mul3A = arith.constant 16 : i32
      %mul3A_97 = arith.muli %and3A_96, %mul3A : i32
      %swap3A = arith.constant 0 : i32
      %swap3A_98 = arith.index_cast %swap3A : i32 to index
      %swap3A_99 = arith.index_cast %shift_right_arithmetic3A_95 : i32 to index
      %swap3A_100 = arith.index_cast %mul3A_97 : i32 to index
      %swap3A_101 = tpu.vector_load %arg8[%swap3A_98, %swap3A_99, %swap3A_100] {strides = array<i32>} : memref<2x128x128xf32, #tpu.memory_space<vmem>>, vector<1x1x16xf32>,
      %swap3A_102 = vector.shape_cast %swap3A_101 : vector<1x1x16xf32> to vector<16xf32>
      %swap3A_103 = vector.shape_cast %broadcast_in_dim3A_0 : vector<16xf32> to vector<1x1x16xf32>
      tpu.vector_store %arg8[%swap3A_98, %swap3A_99, %swap3A_100], %swap3A_103 {strides = array<i32>} : memref<2x128x128xf32, #tpu.memory_space<vmem>>, vector<1x1x16xf32>,
    }
    %scan3A_5 = arith.constant 1024 : i32
    %lt3A = arith.constant 15 : i32
    %lt3A_6 = arith.cmpi slt, %arg1, %lt3A : i32
    %convert_element_type3A = arith.extui %lt3A_6 : i1 to i32
    %cond3A = arith.constant 0 : i32
    %cond3A_7 = arith.cmpi ne, %convert_element_type3A, %cond3A : i32
    scf.if %cond3A_7 {
      %mul3A = arith.constant 640 : i32
      %mul3A_94 = arith.muli %arg1, %mul3A : i32
      %add3A = arith.constant 0 : i32
      %add3A_95 = arith.addi %mul3A_94, %add3A : i32
      %run_scoped3A = arith.constant 0 : i32
      "tpu.region"() ({
        %run_scoped3A_116 = tpu.sem_alloc : memref<!tpu.dma_semaphore, #tpu.memory_space<semaphore_mem>>
        %dma_start3A_117 = arith.constant 0 : i32
        %dma_start3A_118 = arith.constant 0 : i32
        %dma_start3A_119 = tpu.memref_slice %arg8[%run_scoped3A, %dma_start3A_117, %dma_start3A_118] : memref<2x128x128xf32, #tpu.memory_space<vmem>> -> memref<1x128x128xf32, #tpu.memory_space<vmem>>
        %dma_start3A_120 = tpu.memref_squeeze %dma_start3A_119 : memref<1x128x128xf32, #tpu.memory_space<vmem>> -> memref<128x128xf32, #tpu.memory_space<vmem>>
        %dma_start3A_121 = arith.constant 0 : i32
        %dma_start3A_122 = tpu.memref_slice %arg9[%add3A_95, %dma_start3A_121] : memref<10008x128xf32, #tpu.memory_space<vmem_shared>> -> memref<128x128xf32, #tpu.memory_space<vmem_shared>>
        %dma_start3A_123 = arith.constant 0 : i32
        %dma_start3A_124 = tpu.memref_slice %arg9[%add3A_95, %dma_start3A_123] : memref<10008x128xf32, #tpu.memory_space<vmem_shared>> -> memref<128x128xf32, #tpu.memory_space<vmem_shared>>
        %dma_start3A_125 = arith.constant 0 : i32
        %dma_start3A_126 = arith.constant 0 : i32
        %dma_start3A_127 = tpu.memref_slice %arg8[%run_scoped3A, %dma_start3A_125, %dma_start3A_126] : memref<2x128x128xf32, #tpu.memory_space<vmem>> -> memref<1x128x128xf32, #tpu.memory_space<vmem>>
        %dma_start3A_128 = tpu.memref_squeeze %dma_start3A_127 : memref<1x128x128xf32, #tpu.memory_space<vmem>> -> memref<128x128xf32, #tpu.memory_space<vmem>>
        tpu.enqueue_dma source(%dma_start3A_128 : memref<128x128xf32, #tpu.memory_space<vmem>>) target(%dma_start3A_124 : memref<128x128xf32, #tpu.memory_space<vmem_shared>>) target_semaphore(%run_scoped3A_116 : memref<!tpu.dma_semaphore, #tpu.memory_space<semaphore_mem>>)
        %dma_wait3A_129 = arith.constant 0 : i32
        %dma_wait3A_130 = arith.constant 0 : i32
        %dma_wait3A_131 = tpu.memref_slice %arg8[%run_scoped3A, %dma_wait3A_129, %dma_wait3A_130] : memref<2x128x128xf32, #tpu.memory_space<vmem>> -> memref<1x128x128xf32, #tpu.memory_space<vmem>>
        %dma_wait3A_132 = tpu.memref_squeeze %dma_wait3A_131 : memref<1x128x128xf32, #tpu.memory_space<vmem>> -> memref<128x128xf32, #tpu.memory_space<vmem>>
        %dma_wait3A_133 = arith.constant 0 : i32
        %dma_wait3A_134 = tpu.memref_slice %arg9[%add3A_95, %dma_wait3A_133] : memref<10008x128xf32, #tpu.memory_space<vmem_shared>> -> memref<128x128xf32, #tpu.memory_space<vmem_shared>>
        %dma_wait3A_135 = arith.constant 0 : i32
        %dma_wait3A_136 = tpu.memref_slice %arg9[%add3A_95, %dma_wait3A_135] : memref<10008x128xf32, #tpu.memory_space<vmem_shared>> -> memref<128x128xf32, #tpu.memory_space<vmem_shared>>
        %dma_wait3A_137 = arith.constant 0 : i32
        %dma_wait3A_138 = arith.constant 0 : i32
        %dma_wait3A_139 = tpu.memref_slice %arg8[%run_scoped3A, %dma_wait3A_137, %dma_wait3A_138] : memref<2x128x128xf32, #tpu.memory_space<vmem>> -> memref<1x128x128xf32, #tpu.memory_space<vmem>>
        %dma_wait3A_140 = tpu.memref_squeeze %dma_wait3A_139 : memref<1x128x128xf32, #tpu.memory_space<vmem>> -> memref<128x128xf32, #tpu.memory_space<vmem>>
        tpu.wait_dma2 semaphore(%run_scoped3A_116 : memref<!tpu.dma_semaphore, #tpu.memory_space<semaphore_mem>>) src(%dma_wait3A_140 : memref<128x128xf32, #tpu.memory_space<vmem>>) dst(%dma_wait3A_136 : memref<128x128xf32, #tpu.memory_space<vmem_shared>>)
        tpu.yield
      }) : () -> ()
      %mul3A_96 = arith.constant 640 : i32
      %mul3A_97 = arith.muli %arg1, %mul3A_96 : i32
      %add3A_98 = arith.constant 128 : i32
      %add3A_99 = arith.addi %mul3A_97, %add3A_98 : i32
      %run_scoped3A_100 = arith.constant 0 : i32
      "tpu.region"() ({
        %run_scoped3A_116 = tpu.sem_alloc : memref<!tpu.dma_semaphore, #tpu.memory_space<semaphore_mem>>
        %dma_start3A_117 = arith.constant 0 : i32
        %dma_start3A_118 = arith.constant 0 : i32
        %dma_start3A_119 = tpu.memref_slice %arg8[%run_scoped3A_100, %dma_start3A_117, %dma_start3A_118] : memref<2x128x128xf32, #tpu.memory_space<vmem>> -> memref<1x128x128xf32, #tpu.memory_space<vmem>>
        %dma_start3A_120 = tpu.memref_squeeze %dma_start3A_119 : memref<1x128x128xf32, #tpu.memory_space<vmem>> -> memref<128x128xf32, #tpu.memory_space<vmem>>
        %dma_start3A_121 = arith.constant 0 : i32
        %dma_start3A_122 = tpu.memref_slice %arg9[%add3A_99, %dma_start3A_121] : memref<10008x128xf32, #tpu.memory_space<vmem_shared>> -> memref<128x128xf32, #tpu.memory_space<vmem_shared>>
        %dma_start3A_123 = arith.constant 0 : i32
        %dma_start3A_124 = tpu.memref_slice %arg9[%add3A_99, %dma_start3A_123] : memref<10008x128xf32, #tpu.memory_space<vmem_shared>> -> memref<128x128xf32, #tpu.memory_space<vmem_shared>>
        %dma_start3A_125 = arith.constant 0 : i32
        %dma_start3A_126 = arith.constant 0 : i32
        %dma_start3A_127 = tpu.memref_slice %arg8[%run_scoped3A_100, %dma_start3A_125, %dma_start3A_126] : memref<2x128x128xf32, #tpu.memory_space<vmem>> -> memref<1x128x128xf32, #tpu.memory_space<vmem>>
        %dma_start3A_128 = tpu.memref_squeeze %dma_start3A_127 : memref<1x128x128xf32, #tpu.memory_space<vmem>> -> memref<128x128xf32, #tpu.memory_space<vmem>>
        tpu.enqueue_dma source(%dma_start3A_128 : memref<128x128xf32, #tpu.memory_space<vmem>>) target(%dma_start3A_124 : memref<128x128xf32, #tpu.memory_space<vmem_shared>>) target_semaphore(%run_scoped3A_116 : memref<!tpu.dma_semaphore, #tpu.memory_space<semaphore_mem>>)
        %dma_wait3A_129 = arith.constant 0 : i32
        %dma_wait3A_130 = arith.constant 0 : i32
        %dma_wait3A_131 = tpu.memref_slice %arg8[%run_scoped3A_100, %dma_wait3A_129, %dma_wait3A_130] : memref<2x128x128xf32, #tpu.memory_space<vmem>> -> memref<1x128x128xf32, #tpu.memory_space<vmem>>
        %dma_wait3A_132 = tpu.memref_squeeze %dma_wait3A_131 : memref<1x128x128xf32, #tpu.memory_space<vmem>> -> memref<128x128xf32, #tpu.memory_space<vmem>>
        %dma_wait3A_133 = arith.constant 0 : i32
        %dma_wait3A_134 = tpu.memref_slice %arg9[%add3A_99, %dma_wait3A_133] : memref<10008x128xf32, #tpu.memory_space<vmem_shared>> -> memref<128x128xf32, #tpu.memory_space<vmem_shared>>
        %dma_wait3A_135 = arith.constant 0 : i32
        %dma_wait3A_136 = tpu.memref_slice %arg9[%add3A_99, %dma_wait3A_135] : memref<10008x128xf32, #tpu.memory_space<vmem_shared>> -> memref<128x128xf32, #tpu.memory_space<vmem_shared>>
        %dma_wait3A_137 = arith.constant 0 : i32
        %dma_wait3A_138 = arith.constant 0 : i32
        %dma_wait3A_139 = tpu.memref_slice %arg8[%run_scoped3A_100, %dma_wait3A_137, %dma_wait3A_138] : memref<2x128x128xf32, #tpu.memory_space<vmem>> -> memref<1x128x128xf32, #tpu.memory_space<vmem>>
        %dma_wait3A_140 = tpu.memref_squeeze %dma_wait3A_139 : memref<1x128x128xf32, #tpu.memory_space<vmem>> -> memref<128x128xf32, #tpu.memory_space<vmem>>
        tpu.wait_dma2 semaphore(%run_scoped3A_116 : memref<!tpu.dma_semaphore, #tpu.memory_space<semaphore_mem>>) src(%dma_wait3A_140 : memref<128x128xf32, #tpu.memory_space<vmem>>) dst(%dma_wait3A_136 : memref<128x128xf32, #tpu.memory_space<vmem_shared>>)
        tpu.yield
      }) : () -> ()
      %mul3A_101 = arith.constant 640 : i32
      %mul3A_102 = arith.muli %arg1, %mul3A_101 : i32
      %add3A_103 = arith.constant 256 : i32
      %add3A_104 = arith.addi %mul3A_102, %add3A_103 : i32
      %run_scoped3A_105 = arith.constant 0 : i32
      "tpu.region"() ({
        %run_scoped3A_116 = tpu.sem_alloc : memref<!tpu.dma_semaphore, #tpu.memory_space<semaphore_mem>>
        %dma_start3A_117 = arith.constant 0 : i32
        %dma_start3A_118 = arith.constant 0 : i32
        %dma_start3A_119 = tpu.memref_slice %arg8[%run_scoped3A_105, %dma_start3A_117, %dma_start3A_118] : memref<2x128x128xf32, #tpu.memory_space<vmem>> -> memref<1x128x128xf32, #tpu.memory_space<vmem>>
        %dma_start3A_120 = tpu.memref_squeeze %dma_start3A_119 : memref<1x128x128xf32, #tpu.memory_space<vmem>> -> memref<128x128xf32, #tpu.memory_space<vmem>>
        %dma_start3A_121 = arith.constant 0 : i32
        %dma_start3A_122 = tpu.memref_slice %arg9[%add3A_104, %dma_start3A_121] : memref<10008x128xf32, #tpu.memory_space<vmem_shared>> -> memref<128x128xf32, #tpu.memory_space<vmem_shared>>
        %dma_start3A_123 = arith.constant 0 : i32
        %dma_start3A_124 = tpu.memref_slice %arg9[%add3A_104, %dma_start3A_123] : memref<10008x128xf32, #tpu.memory_space<vmem_shared>> -> memref<128x128xf32, #tpu.memory_space<vmem_shared>>
        %dma_start3A_125 = arith.constant 0 : i32
        %dma_start3A_126 = arith.constant 0 : i32
        %dma_start3A_127 = tpu.memref_slice %arg8[%run_scoped3A_105, %dma_start3A_125, %dma_start3A_126] : memref<2x128x128xf32, #tpu.memory_space<vmem>> -> memref<1x128x128xf32, #tpu.memory_space<vmem>>
        %dma_start3A_128 = tpu.memref_squeeze %dma_start3A_127 : memref<1x128x128xf32, #tpu.memory_space<vmem>> -> memref<128x128xf32, #tpu.memory_space<vmem>>
        tpu.enqueue_dma source(%dma_start3A_128 : memref<128x128xf32, #tpu.memory_space<vmem>>) target(%dma_start3A_124 : memref<128x128xf32, #tpu.memory_space<vmem_shared>>) target_semaphore(%run_scoped3A_116 : memref<!tpu.dma_semaphore, #tpu.memory_space<semaphore_mem>>)
        %dma_wait3A_129 = arith.constant 0 : i32
        %dma_wait3A_130 = arith.constant 0 : i32
        %dma_wait3A_131 = tpu.memref_slice %arg8[%run_scoped3A_105, %dma_wait3A_129, %dma_wait3A_130] : memref<2x128x128xf32, #tpu.memory_space<vmem>> -> memref<1x128x128xf32, #tpu.memory_space<vmem>>
        %dma_wait3A_132 = tpu.memref_squeeze %dma_wait3A_131 : memref<1x128x128xf32, #tpu.memory_space<vmem>> -> memref<128x128xf32, #tpu.memory_space<vmem>>
        %dma_wait3A_133 = arith.constant 0 : i32
        %dma_wait3A_134 = tpu.memref_slice %arg9[%add3A_104, %dma_wait3A_133] : memref<10008x128xf32, #tpu.memory_space<vmem_shared>> -> memref<128x128xf32, #tpu.memory_space<vmem_shared>>
        %dma_wait3A_135 = arith.constant 0 : i32
        %dma_wait3A_136 = tpu.memref_slice %arg9[%add3A_104, %dma_wait3A_135] : memref<10008x128xf32, #tpu.memory_space<vmem_shared>> -> memref<128x128xf32, #tpu.memory_space<vmem_shared>>
        %dma_wait3A_137 = arith.constant 0 : i32
        %dma_wait3A_138 = arith.constant 0 : i32
        %dma_wait3A_139 = tpu.memref_slice %arg8[%run_scoped3A_105, %dma_wait3A_137, %dma_wait3A_138] : memref<2x128x128xf32, #tpu.memory_space<vmem>> -> memref<1x128x128xf32, #tpu.memory_space<vmem>>
        %dma_wait3A_140 = tpu.memref_squeeze %dma_wait3A_139 : memref<1x128x128xf32, #tpu.memory_space<vmem>> -> memref<128x128xf32, #tpu.memory_space<vmem>>
        tpu.wait_dma2 semaphore(%run_scoped3A_116 : memref<!tpu.dma_semaphore, #tpu.memory_space<semaphore_mem>>) src(%dma_wait3A_140 : memref<128x128xf32, #tpu.memory_space<vmem>>) dst(%dma_wait3A_136 : memref<128x128xf32, #tpu.memory_space<vmem_shared>>)
        tpu.yield
      }) : () -> ()
      %mul3A_106 = arith.constant 640 : i32
      %mul3A_107 = arith.muli %arg1, %mul3A_106 : i32
      %add3A_108 = arith.constant 384 : i32
      %add3A_109 = arith.addi %mul3A_107, %add3A_108 : i32
      %run_scoped3A_110 = arith.constant 0 : i32
      "tpu.region"() ({
        %run_scoped3A_116 = tpu.sem_alloc : memref<!tpu.dma_semaphore, #tpu.memory_space<semaphore_mem>>
        %dma_start3A_117 = arith.constant 0 : i32
        %dma_start3A_118 = arith.constant 0 : i32
        %dma_start3A_119 = tpu.memref_slice %arg8[%run_scoped3A_110, %dma_start3A_117, %dma_start3A_118] : memref<2x128x128xf32, #tpu.memory_space<vmem>> -> memref<1x128x128xf32, #tpu.memory_space<vmem>>
        %dma_start3A_120 = tpu.memref_squeeze %dma_start3A_119 : memref<1x128x128xf32, #tpu.memory_space<vmem>> -> memref<128x128xf32, #tpu.memory_space<vmem>>
        %dma_start3A_121 = arith.constant 0 : i32
        %dma_start3A_122 = tpu.memref_slice %arg9[%add3A_109, %dma_start3A_121] : memref<10008x128xf32, #tpu.memory_space<vmem_shared>> -> memref<128x128xf32, #tpu.memory_space<vmem_shared>>
        %dma_start3A_123 = arith.constant 0 : i32
        %dma_start3A_124 = tpu.memref_slice %arg9[%add3A_109, %dma_start3A_123] : memref<10008x128xf32, #tpu.memory_space<vmem_shared>> -> memref<128x128xf32, #tpu.memory_space<vmem_shared>>
        %dma_start3A_125 = arith.constant 0 : i32
        %dma_start3A_126 = arith.constant 0 : i32
        %dma_start3A_127 = tpu.memref_slice %arg8[%run_scoped3A_110, %dma_start3A_125, %dma_start3A_126] : memref<2x128x128xf32, #tpu.memory_space<vmem>> -> memref<1x128x128xf32, #tpu.memory_space<vmem>>
        %dma_start3A_128 = tpu.memref_squeeze %dma_start3A_127 : memref<1x128x128xf32, #tpu.memory_space<vmem>> -> memref<128x128xf32, #tpu.memory_space<vmem>>
        tpu.enqueue_dma source(%dma_start3A_128 : memref<128x128xf32, #tpu.memory_space<vmem>>) target(%dma_start3A_124 : memref<128x128xf32, #tpu.memory_space<vmem_shared>>) target_semaphore(%run_scoped3A_116 : memref<!tpu.dma_semaphore, #tpu.memory_space<semaphore_mem>>)
        %dma_wait3A_129 = arith.constant 0 : i32
        %dma_wait3A_130 = arith.constant 0 : i32
        %dma_wait3A_131 = tpu.memref_slice %arg8[%run_scoped3A_110, %dma_wait3A_129, %dma_wait3A_130] : memref<2x128x128xf32, #tpu.memory_space<vmem>> -> memref<1x128x128xf32, #tpu.memory_space<vmem>>
        %dma_wait3A_132 = tpu.memref_squeeze %dma_wait3A_131 : memref<1x128x128xf32, #tpu.memory_space<vmem>> -> memref<128x128xf32, #tpu.memory_space<vmem>>
        %dma_wait3A_133 = arith.constant 0 : i32
        %dma_wait3A_134 = tpu.memref_slice %arg9[%add3A_109, %dma_wait3A_133] : memref<10008x128xf32, #tpu.memory_space<vmem_shared>> -> memref<128x128xf32, #tpu.memory_space<vmem_shared>>
        %dma_wait3A_135 = arith.constant 0 : i32
        %dma_wait3A_136 = tpu.memref_slice %arg9[%add3A_109, %dma_wait3A_135] : memref<10008x128xf32, #tpu.memory_space<vmem_shared>> -> memref<128x128xf32, #tpu.memory_space<vmem_shared>>
        %dma_wait3A_137 = arith.constant 0 : i32
        %dma_wait3A_138 = arith.constant 0 : i32
        %dma_wait3A_139 = tpu.memref_slice %arg8[%run_scoped3A_110, %dma_wait3A_137, %dma_wait3A_138] : memref<2x128x128xf32, #tpu.memory_space<vmem>> -> memref<1x128x128xf32, #tpu.memory_space<vmem>>
        %dma_wait3A_140 = tpu.memref_squeeze %dma_wait3A_139 : memref<1x128x128xf32, #tpu.memory_space<vmem>> -> memref<128x128xf32, #tpu.memory_space<vmem>>
        tpu.wait_dma2 semaphore(%run_scoped3A_116 : memref<!tpu.dma_semaphore, #tpu.memory_space<semaphore_mem>>) src(%dma_wait3A_140 : memref<128x128xf32, #tpu.memory_space<vmem>>) dst(%dma_wait3A_136 : memref<128x128xf32, #tpu.memory_space<vmem_shared>>)
        tpu.yield
      }) : () -> ()
      %mul3A_111 = arith.constant 640 : i32
      %mul3A_112 = arith.muli %arg1, %mul3A_111 : i32
      %add3A_113 = arith.constant 512 : i32
      %add3A_114 = arith.addi %mul3A_112, %add3A_113 : i32
      %run_scoped3A_115 = arith.constant 0 : i32
      "tpu.region"() ({
        %run_scoped3A_116 = tpu.sem_alloc : memref<!tpu.dma_semaphore, #tpu.memory_space<semaphore_mem>>
        %dma_start3A_117 = arith.constant 0 : i32
        %dma_start3A_118 = arith.constant 0 : i32
        %dma_start3A_119 = tpu.memref_slice %arg8[%run_scoped3A_115, %dma_start3A_117, %dma_start3A_118] : memref<2x128x128xf32, #tpu.memory_space<vmem>> -> memref<1x128x128xf32, #tpu.memory_space<vmem>>
        %dma_start3A_120 = tpu.memref_squeeze %dma_start3A_119 : memref<1x128x128xf32, #tpu.memory_space<vmem>> -> memref<128x128xf32, #tpu.memory_space<vmem>>
        %dma_start3A_121 = arith.constant 0 : i32
        %dma_start3A_122 = tpu.memref_slice %arg9[%add3A_114, %dma_start3A_121] : memref<10008x128xf32, #tpu.memory_space<vmem_shared>> -> memref<128x128xf32, #tpu.memory_space<vmem_shared>>
        %dma_start3A_123 = arith.constant 0 : i32
        %dma_start3A_124 = tpu.memref_slice %arg9[%add3A_114, %dma_start3A_123] : memref<10008x128xf32, #tpu.memory_space<vmem_shared>> -> memref<128x128xf32, #tpu.memory_space<vmem_shared>>
        %dma_start3A_125 = arith.constant 0 : i32
        %dma_start3A_126 = arith.constant 0 : i32
        %dma_start3A_127 = tpu.memref_slice %arg8[%run_scoped3A_115, %dma_start3A_125, %dma_start3A_126] : memref<2x128x128xf32, #tpu.memory_space<vmem>> -> memref<1x128x128xf32, #tpu.memory_space<vmem>>
        %dma_start3A_128 = tpu.memref_squeeze %dma_start3A_127 : memref<1x128x128xf32, #tpu.memory_space<vmem>> -> memref<128x128xf32, #tpu.memory_space<vmem>>
        tpu.enqueue_dma source(%dma_start3A_128 : memref<128x128xf32, #tpu.memory_space<vmem>>) target(%dma_start3A_124 : memref<128x128xf32, #tpu.memory_space<vmem_shared>>) target_semaphore(%run_scoped3A_116 : memref<!tpu.dma_semaphore, #tpu.memory_space<semaphore_mem>>)
        %dma_wait3A_129 = arith.constant 0 : i32
        %dma_wait3A_130 = arith.constant 0 : i32
        %dma_wait3A_131 = tpu.memref_slice %arg8[%run_scoped3A_115, %dma_wait3A_129, %dma_wait3A_130] : memref<2x128x128xf32, #tpu.memory_space<vmem>> -> memref<1x128x128xf32, #tpu.memory_space<vmem>>
        %dma_wait3A_132 = tpu.memref_squeeze %dma_wait3A_131 : memref<1x128x128xf32, #tpu.memory_space<vmem>> -> memref<128x128xf32, #tpu.memory_space<vmem>>
        %dma_wait3A_133 = arith.constant 0 : i32
        %dma_wait3A_134 = tpu.memref_slice %arg9[%add3A_114, %dma_wait3A_133] : memref<10008x128xf32, #tpu.memory_space<vmem_shared>> -> memref<128x128xf32, #tpu.memory_space<vmem_shared>>
        %dma_wait3A_135 = arith.constant 0 : i32
        %dma_wait3A_136 = tpu.memref_slice %arg9[%add3A_114, %dma_wait3A_135] : memref<10008x128xf32, #tpu.memory_space<vmem_shared>> -> memref<128x128xf32, #tpu.memory_space<vmem_shared>>
        %dma_wait3A_137 = arith.constant 0 : i32
        %dma_wait3A_138 = arith.constant 0 : i32
        %dma_wait3A_139 = tpu.memref_slice %arg8[%run_scoped3A_115, %dma_wait3A_137, %dma_wait3A_138] : memref<2x128x128xf32, #tpu.memory_space<vmem>> -> memref<1x128x128xf32, #tpu.memory_space<vmem>>
        %dma_wait3A_140 = tpu.memref_squeeze %dma_wait3A_139 : memref<1x128x128xf32, #tpu.memory_space<vmem>> -> memref<128x128xf32, #tpu.memory_space<vmem>>
        tpu.wait_dma2 semaphore(%run_scoped3A_116 : memref<!tpu.dma_semaphore, #tpu.memory_space<semaphore_mem>>) src(%dma_wait3A_140 : memref<128x128xf32, #tpu.memory_space<vmem>>) dst(%dma_wait3A_136 : memref<128x128xf32, #tpu.memory_space<vmem_shared>>)
        tpu.yield
      }) : () -> ()
    } else {
    }
    %eq3A = arith.constant 15 : i32
    %eq3A_8 = arith.cmpi eq, %arg1, %eq3A : i32
    %convert_element_type3A_9 = arith.extui %eq3A_8 : i1 to i32
    %cond3A_10 = arith.constant 0 : i32
    %cond3A_11 = arith.cmpi ne, %convert_element_type3A_9, %cond3A_10 : i32
    scf.if %cond3A_11 {
      %run_scoped3A = arith.constant 0 : i32
      "tpu.region"() ({
        %run_scoped3A_97 = tpu.sem_alloc : memref<!tpu.dma_semaphore, #tpu.memory_space<semaphore_mem>>
        %dma_start3A_98 = arith.constant 0 : i32
        %dma_start3A_99 = arith.constant 0 : i32
        %dma_start3A_100 = tpu.memref_slice %arg8[%run_scoped3A, %dma_start3A_98, %dma_start3A_99] : memref<2x128x128xf32, #tpu.memory_space<vmem>> -> memref<1x128x128xf32, #tpu.memory_space<vmem>>
        %dma_start3A_101 = tpu.memref_squeeze %dma_start3A_100 : memref<1x128x128xf32, #tpu.memory_space<vmem>> -> memref<128x128xf32, #tpu.memory_space<vmem>>
        %dma_start3A_102 = arith.constant 9600 : i32
        %dma_start3A_103 = arith.constant 0 : i32
        %dma_start3A_104 = tpu.memref_slice %arg9[%dma_start3A_102, %dma_start3A_103] : memref<10008x128xf32, #tpu.memory_space<vmem_shared>> -> memref<128x128xf32, #tpu.memory_space<vmem_shared>>
        %dma_start3A_105 = arith.constant 9600 : i32
        %dma_start3A_106 = arith.constant 0 : i32
        %dma_start3A_107 = tpu.memref_slice %arg9[%dma_start3A_105, %dma_start3A_106] : memref<10008x128xf32, #tpu.memory_space<vmem_shared>> -> memref<128x128xf32, #tpu.memory_space<vmem_shared>>
        %dma_start3A_108 = arith.constant 0 : i32
        %dma_start3A_109 = arith.constant 0 : i32
        %dma_start3A_110 = tpu.memref_slice %arg8[%run_scoped3A, %dma_start3A_108, %dma_start3A_109] : memref<2x128x128xf32, #tpu.memory_space<vmem>> -> memref<1x128x128xf32, #tpu.memory_space<vmem>>
        %dma_start3A_111 = tpu.memref_squeeze %dma_start3A_110 : memref<1x128x128xf32, #tpu.memory_space<vmem>> -> memref<128x128xf32, #tpu.memory_space<vmem>>
        tpu.enqueue_dma source(%dma_start3A_111 : memref<128x128xf32, #tpu.memory_space<vmem>>) target(%dma_start3A_107 : memref<128x128xf32, #tpu.memory_space<vmem_shared>>) target_semaphore(%run_scoped3A_97 : memref<!tpu.dma_semaphore, #tpu.memory_space<semaphore_mem>>)
        %dma_wait3A_112 = arith.constant 0 : i32
        %dma_wait3A_113 = arith.constant 0 : i32
        %dma_wait3A_114 = tpu.memref_slice %arg8[%run_scoped3A, %dma_wait3A_112, %dma_wait3A_113] : memref<2x128x128xf32, #tpu.memory_space<vmem>> -> memref<1x128x128xf32, #tpu.memory_space<vmem>>
        %dma_wait3A_115 = tpu.memref_squeeze %dma_wait3A_114 : memref<1x128x128xf32, #tpu.memory_space<vmem>> -> memref<128x128xf32, #tpu.memory_space<vmem>>
        %dma_wait3A_116 = arith.constant 9600 : i32
        %dma_wait3A_117 = arith.constant 0 : i32
        %dma_wait3A_118 = tpu.memref_slice %arg9[%dma_wait3A_116, %dma_wait3A_117] : memref<10008x128xf32, #tpu.memory_space<vmem_shared>> -> memref<128x128xf32, #tpu.memory_space<vmem_shared>>
        %dma_wait3A_119 = arith.constant 9600 : i32
        %dma_wait3A_120 = arith.constant 0 : i32
        %dma_wait3A_121 = tpu.memref_slice %arg9[%dma_wait3A_119, %dma_wait3A_120] : memref<10008x128xf32, #tpu.memory_space<vmem_shared>> -> memref<128x128xf32, #tpu.memory_space<vmem_shared>>
        %dma_wait3A_122 = arith.constant 0 : i32
        %dma_wait3A_123 = arith.constant 0 : i32
        %dma_wait3A_124 = tpu.memref_slice %arg8[%run_scoped3A, %dma_wait3A_122, %dma_wait3A_123] : memref<2x128x128xf32, #tpu.memory_space<vmem>> -> memref<1x128x128xf32, #tpu.memory_space<vmem>>
        %dma_wait3A_125 = tpu.memref_squeeze %dma_wait3A_124 : memref<1x128x128xf32, #tpu.memory_space<vmem>> -> memref<128x128xf32, #tpu.memory_space<vmem>>
        tpu.wait_dma2 semaphore(%run_scoped3A_97 : memref<!tpu.dma_semaphore, #tpu.memory_space<semaphore_mem>>) src(%dma_wait3A_125 : memref<128x128xf32, #tpu.memory_space<vmem>>) dst(%dma_wait3A_121 : memref<128x128xf32, #tpu.memory_space<vmem_shared>>)
        tpu.yield
      }) : () -> ()
      %run_scoped3A_94 = arith.constant 0 : i32
      "tpu.region"() ({
        %run_scoped3A_97 = tpu.sem_alloc : memref<!tpu.dma_semaphore, #tpu.memory_space<semaphore_mem>>
        %dma_start3A_98 = arith.constant 0 : i32
        %dma_start3A_99 = arith.constant 0 : i32
        %dma_start3A_100 = tpu.memref_slice %arg8[%run_scoped3A_94, %dma_start3A_98, %dma_start3A_99] : memref<2x128x128xf32, #tpu.memory_space<vmem>> -> memref<1x128x128xf32, #tpu.memory_space<vmem>>
        %dma_start3A_101 = tpu.memref_squeeze %dma_start3A_100 : memref<1x128x128xf32, #tpu.memory_space<vmem>> -> memref<128x128xf32, #tpu.memory_space<vmem>>
        %dma_start3A_102 = arith.constant 9728 : i32
        %dma_start3A_103 = arith.constant 0 : i32
        %dma_start3A_104 = tpu.memref_slice %arg9[%dma_start3A_102, %dma_start3A_103] : memref<10008x128xf32, #tpu.memory_space<vmem_shared>> -> memref<128x128xf32, #tpu.memory_space<vmem_shared>>
        %dma_start3A_105 = arith.constant 9728 : i32
        %dma_start3A_106 = arith.constant 0 : i32
        %dma_start3A_107 = tpu.memref_slice %arg9[%dma_start3A_105, %dma_start3A_106] : memref<10008x128xf32, #tpu.memory_space<vmem_shared>> -> memref<128x128xf32, #tpu.memory_space<vmem_shared>>
        %dma_start3A_108 = arith.constant 0 : i32
        %dma_start3A_109 = arith.constant 0 : i32
        %dma_start3A_110 = tpu.memref_slice %arg8[%run_scoped3A_94, %dma_start3A_108, %dma_start3A_109] : memref<2x128x128xf32, #tpu.memory_space<vmem>> -> memref<1x128x128xf32, #tpu.memory_space<vmem>>
        %dma_start3A_111 = tpu.memref_squeeze %dma_start3A_110 : memref<1x128x128xf32, #tpu.memory_space<vmem>> -> memref<128x128xf32, #tpu.memory_space<vmem>>
        tpu.enqueue_dma source(%dma_start3A_111 : memref<128x128xf32, #tpu.memory_space<vmem>>) target(%dma_start3A_107 : memref<128x128xf32, #tpu.memory_space<vmem_shared>>) target_semaphore(%run_scoped3A_97 : memref<!tpu.dma_semaphore, #tpu.memory_space<semaphore_mem>>)
        %dma_wait3A_112 = arith.constant 0 : i32
        %dma_wait3A_113 = arith.constant 0 : i32
        %dma_wait3A_114 = tpu.memref_slice %arg8[%run_scoped3A_94, %dma_wait3A_112, %dma_wait3A_113] : memref<2x128x128xf32, #tpu.memory_space<vmem>> -> memref<1x128x128xf32, #tpu.memory_space<vmem>>
        %dma_wait3A_115 = tpu.memref_squeeze %dma_wait3A_114 : memref<1x128x128xf32, #tpu.memory_space<vmem>> -> memref<128x128xf32, #tpu.memory_space<vmem>>
        %dma_wait3A_116 = arith.constant 9728 : i32
        %dma_wait3A_117 = arith.constant 0 : i32
        %dma_wait3A_118 = tpu.memref_slice %arg9[%dma_wait3A_116, %dma_wait3A_117] : memref<10008x128xf32, #tpu.memory_space<vmem_shared>> -> memref<128x128xf32, #tpu.memory_space<vmem_shared>>
        %dma_wait3A_119 = arith.constant 9728 : i32
        %dma_wait3A_120 = arith.constant 0 : i32
        %dma_wait3A_121 = tpu.memref_slice %arg9[%dma_wait3A_119, %dma_wait3A_120] : memref<10008x128xf32, #tpu.memory_space<vmem_shared>> -> memref<128x128xf32, #tpu.memory_space<vmem_shared>>
        %dma_wait3A_122 = arith.constant 0 : i32
        %dma_wait3A_123 = arith.constant 0 : i32
        %dma_wait3A_124 = tpu.memref_slice %arg8[%run_scoped3A_94, %dma_wait3A_122, %dma_wait3A_123] : memref<2x128x128xf32, #tpu.memory_space<vmem>> -> memref<1x128x128xf32, #tpu.memory_space<vmem>>
        %dma_wait3A_125 = tpu.memref_squeeze %dma_wait3A_124 : memref<1x128x128xf32, #tpu.memory_space<vmem>> -> memref<128x128xf32, #tpu.memory_space<vmem>>
        tpu.wait_dma2 semaphore(%run_scoped3A_97 : memref<!tpu.dma_semaphore, #tpu.memory_space<semaphore_mem>>) src(%dma_wait3A_125 : memref<128x128xf32, #tpu.memory_space<vmem>>) dst(%dma_wait3A_121 : memref<128x128xf32, #tpu.memory_space<vmem_shared>>)
        tpu.yield
      }) : () -> ()
      %run_scoped3A_95 = arith.constant 0 : i32
      "tpu.region"() ({
        %run_scoped3A_97 = tpu.sem_alloc : memref<!tpu.dma_semaphore, #tpu.memory_space<semaphore_mem>>
        %dma_start3A_98 = arith.constant 0 : i32
        %dma_start3A_99 = arith.constant 0 : i32
        %dma_start3A_100 = tpu.memref_slice %arg8[%run_scoped3A_95, %dma_start3A_98, %dma_start3A_99] : memref<2x128x128xf32, #tpu.memory_space<vmem>> -> memref<1x128x128xf32, #tpu.memory_space<vmem>>
        %dma_start3A_101 = tpu.memref_squeeze %dma_start3A_100 : memref<1x128x128xf32, #tpu.memory_space<vmem>> -> memref<128x128xf32, #tpu.memory_space<vmem>>
        %dma_start3A_102 = arith.constant 9856 : i32
        %dma_start3A_103 = arith.constant 0 : i32
        %dma_start3A_104 = tpu.memref_slice %arg9[%dma_start3A_102, %dma_start3A_103] : memref<10008x128xf32, #tpu.memory_space<vmem_shared>> -> memref<128x128xf32, #tpu.memory_space<vmem_shared>>
        %dma_start3A_105 = arith.constant 9856 : i32
        %dma_start3A_106 = arith.constant 0 : i32
        %dma_start3A_107 = tpu.memref_slice %arg9[%dma_start3A_105, %dma_start3A_106] : memref<10008x128xf32, #tpu.memory_space<vmem_shared>> -> memref<128x128xf32, #tpu.memory_space<vmem_shared>>
        %dma_start3A_108 = arith.constant 0 : i32
        %dma_start3A_109 = arith.constant 0 : i32
        %dma_start3A_110 = tpu.memref_slice %arg8[%run_scoped3A_95, %dma_start3A_108, %dma_start3A_109] : memref<2x128x128xf32, #tpu.memory_space<vmem>> -> memref<1x128x128xf32, #tpu.memory_space<vmem>>
        %dma_start3A_111 = tpu.memref_squeeze %dma_start3A_110 : memref<1x128x128xf32, #tpu.memory_space<vmem>> -> memref<128x128xf32, #tpu.memory_space<vmem>>
        tpu.enqueue_dma source(%dma_start3A_111 : memref<128x128xf32, #tpu.memory_space<vmem>>) target(%dma_start3A_107 : memref<128x128xf32, #tpu.memory_space<vmem_shared>>) target_semaphore(%run_scoped3A_97 : memref<!tpu.dma_semaphore, #tpu.memory_space<semaphore_mem>>)
        %dma_wait3A_112 = arith.constant 0 : i32
        %dma_wait3A_113 = arith.constant 0 : i32
        %dma_wait3A_114 = tpu.memref_slice %arg8[%run_scoped3A_95, %dma_wait3A_112, %dma_wait3A_113] : memref<2x128x128xf32, #tpu.memory_space<vmem>> -> memref<1x128x128xf32, #tpu.memory_space<vmem>>
        %dma_wait3A_115 = tpu.memref_squeeze %dma_wait3A_114 : memref<1x128x128xf32, #tpu.memory_space<vmem>> -> memref<128x128xf32, #tpu.memory_space<vmem>>
        %dma_wait3A_116 = arith.constant 9856 : i32
        %dma_wait3A_117 = arith.constant 0 : i32
        %dma_wait3A_118 = tpu.memref_slice %arg9[%dma_wait3A_116, %dma_wait3A_117] : memref<10008x128xf32, #tpu.memory_space<vmem_shared>> -> memref<128x128xf32, #tpu.memory_space<vmem_shared>>
        %dma_wait3A_119 = arith.constant 9856 : i32
        %dma_wait3A_120 = arith.constant 0 : i32
        %dma_wait3A_121 = tpu.memref_slice %arg9[%dma_wait3A_119, %dma_wait3A_120] : memref<10008x128xf32, #tpu.memory_space<vmem_shared>> -> memref<128x128xf32, #tpu.memory_space<vmem_shared>>
        %dma_wait3A_122 = arith.constant 0 : i32
        %dma_wait3A_123 = arith.constant 0 : i32
        %dma_wait3A_124 = tpu.memref_slice %arg8[%run_scoped3A_95, %dma_wait3A_122, %dma_wait3A_123] : memref<2x128x128xf32, #tpu.memory_space<vmem>> -> memref<1x128x128xf32, #tpu.memory_space<vmem>>
        %dma_wait3A_125 = tpu.memref_squeeze %dma_wait3A_124 : memref<1x128x128xf32, #tpu.memory_space<vmem>> -> memref<128x128xf32, #tpu.memory_space<vmem>>
        tpu.wait_dma2 semaphore(%run_scoped3A_97 : memref<!tpu.dma_semaphore, #tpu.memory_space<semaphore_mem>>) src(%dma_wait3A_125 : memref<128x128xf32, #tpu.memory_space<vmem>>) dst(%dma_wait3A_121 : memref<128x128xf32, #tpu.memory_space<vmem_shared>>)
        tpu.yield
      }) : () -> ()
      %run_scoped3A_96 = arith.constant 0 : i32
      "tpu.region"() ({
        %run_scoped3A_97 = tpu.sem_alloc : memref<!tpu.dma_semaphore, #tpu.memory_space<semaphore_mem>>
        %dma_start3A_98 = arith.constant 0 : i32
        %dma_start3A_99 = arith.constant 0 : i32
        %dma_start3A_100 = tpu.memref_slice %arg8[%run_scoped3A_96, %dma_start3A_98, %dma_start3A_99] : memref<2x128x128xf32, #tpu.memory_space<vmem>> -> memref<1x16x128xf32, #tpu.memory_space<vmem>>
        %dma_start3A_101 = tpu.memref_squeeze %dma_start3A_100 : memref<1x16x128xf32, #tpu.memory_space<vmem>> -> memref<16x128xf32, #tpu.memory_space<vmem>>
        %dma_start3A_102 = arith.constant 9984 : i32
        %dma_start3A_103 = arith.constant 0 : i32
        %dma_start3A_104 = tpu.memref_slice %arg9[%dma_start3A_102, %dma_start3A_103] : memref<10008x128xf32, #tpu.memory_space<vmem_shared>> -> memref<16x128xf32, #tpu.memory_space<vmem_shared>>
        %dma_start3A_105 = arith.constant 9984 : i32
        %dma_start3A_106 = arith.constant 0 : i32
        %dma_start3A_107 = tpu.memref_slice %arg9[%dma_start3A_105, %dma_start3A_106] : memref<10008x128xf32, #tpu.memory_space<vmem_shared>> -> memref<16x128xf32, #tpu.memory_space<vmem_shared>>
        %dma_start3A_108 = arith.constant 0 : i32
        %dma_start3A_109 = arith.constant 0 : i32
        %dma_start3A_110 = tpu.memref_slice %arg8[%run_scoped3A_96, %dma_start3A_108, %dma_start3A_109] : memref<2x128x128xf32, #tpu.memory_space<vmem>> -> memref<1x16x128xf32, #tpu.memory_space<vmem>>
        %dma_start3A_111 = tpu.memref_squeeze %dma_start3A_110 : memref<1x16x128xf32, #tpu.memory_space<vmem>> -> memref<16x128xf32, #tpu.memory_space<vmem>>
        tpu.enqueue_dma source(%dma_start3A_111 : memref<16x128xf32, #tpu.memory_space<vmem>>) target(%dma_start3A_107 : memref<16x128xf32, #tpu.memory_space<vmem_shared>>) target_semaphore(%run_scoped3A_97 : memref<!tpu.dma_semaphore, #tpu.memory_space<semaphore_mem>>)
        %dma_wait3A_112 = arith.constant 0 : i32
        %dma_wait3A_113 = arith.constant 0 : i32
        %dma_wait3A_114 = tpu.memref_slice %arg8[%run_scoped3A_96, %dma_wait3A_112, %dma_wait3A_113] : memref<2x128x128xf32, #tpu.memory_space<vmem>> -> memref<1x16x128xf32, #tpu.memory_space<vmem>>
        %dma_wait3A_115 = tpu.memref_squeeze %dma_wait3A_114 : memref<1x16x128xf32, #tpu.memory_space<vmem>> -> memref<16x128xf32, #tpu.memory_space<vmem>>
        %dma_wait3A_116 = arith.constant 9984 : i32
        %dma_wait3A_117 = arith.constant 0 : i32
        %dma_wait3A_118 = tpu.memref_slice %arg9[%dma_wait3A_116, %dma_wait3A_117] : memref<10008x128xf32, #tpu.memory_space<vmem_shared>> -> memref<16x128xf32, #tpu.memory_space<vmem_shared>>
        %dma_wait3A_119 = arith.constant 9984 : i32
        %dma_wait3A_120 = arith.constant 0 : i32
        %dma_wait3A_121 = tpu.memref_slice %arg9[%dma_wait3A_119, %dma_wait3A_120] : memref<10008x128xf32, #tpu.memory_space<vmem_shared>> -> memref<16x128xf32, #tpu.memory_space<vmem_shared>>
        %dma_wait3A_122 = arith.constant 0 : i32
        %dma_wait3A_123 = arith.constant 0 : i32
        %dma_wait3A_124 = tpu.memref_slice %arg8[%run_scoped3A_96, %dma_wait3A_122, %dma_wait3A_123] : memref<2x128x128xf32, #tpu.memory_space<vmem>> -> memref<1x16x128xf32, #tpu.memory_space<vmem>>
        %dma_wait3A_125 = tpu.memref_squeeze %dma_wait3A_124 : memref<1x16x128xf32, #tpu.memory_space<vmem>> -> memref<16x128xf32, #tpu.memory_space<vmem>>
        tpu.wait_dma2 semaphore(%run_scoped3A_97 : memref<!tpu.dma_semaphore, #tpu.memory_space<semaphore_mem>>) src(%dma_wait3A_125 : memref<16x128xf32, #tpu.memory_space<vmem>>) dst(%dma_wait3A_121 : memref<16x128xf32, #tpu.memory_space<vmem_shared>>)
        tpu.yield
      }) : () -> ()
    } else {
    }
    %barrier3A = arith.constant 0 : index
    tpu.barrier barrier_id(%barrier3A)
    "tpu.region"() ({
      %run_scoped3A = tpu.sem_alloc : memref<!tpu.dma_semaphore, #tpu.memory_space<semaphore_mem>>
      %dma_start3A_94 = arith.constant 0 : i32
      %dma_start3A_95 = arith.constant 0 : i32
      %dma_start3A_96 = tpu.memref_slice %arg3[%arg0, %arg1, %dma_start3A_94, %dma_start3A_95] : memref<2x16x80x128xi32, #tpu.memory_space<hbm>> -> memref<1x1x40x128xi32, #tpu.memory_space<hbm>>
      %dma_start3A_97 = tpu.memref_squeeze %dma_start3A_96 : memref<1x1x40x128xi32, #tpu.memory_space<hbm>> -> memref<40x128xi32, #tpu.memory_space<hbm>>
      %dma_start3A_98 = arith.constant 0 : i32
      %dma_start3A_99 = arith.constant 0 : i32
      %dma_start3A_100 = tpu.memref_slice %arg3[%arg0, %arg1, %dma_start3A_98, %dma_start3A_99] : memref<2x16x80x128xi32, #tpu.memory_space<hbm>> -> memref<1x1x40x128xi32, #tpu.memory_space<hbm>>
      %dma_start3A_101 = tpu.memref_squeeze %dma_start3A_100 : memref<1x1x40x128xi32, #tpu.memory_space<hbm>> -> memref<40x128xi32, #tpu.memory_space<hbm>>
      tpu.enqueue_dma source(%dma_start3A_101 : memref<40x128xi32, #tpu.memory_space<hbm>>) target(%arg6 : memref<40x128xi32, #tpu.memory_space<vmem>>) target_semaphore(%run_scoped3A : memref<!tpu.dma_semaphore, #tpu.memory_space<semaphore_mem>>)
      %dma_wait3A_102 = arith.constant 0 : i32
      %dma_wait3A_103 = arith.constant 0 : i32
      %dma_wait3A_104 = tpu.memref_slice %arg3[%arg0, %arg1, %dma_wait3A_102, %dma_wait3A_103] : memref<2x16x80x128xi32, #tpu.memory_space<hbm>> -> memref<1x1x40x128xi32, #tpu.memory_space<hbm>>
      %dma_wait3A_105 = tpu.memref_squeeze %dma_wait3A_104 : memref<1x1x40x128xi32, #tpu.memory_space<hbm>> -> memref<40x128xi32, #tpu.memory_space<hbm>>
      %dma_wait3A_106 = arith.constant 0 : i32
      %dma_wait3A_107 = arith.constant 0 : i32
      %dma_wait3A_108 = tpu.memref_slice %arg3[%arg0, %arg1, %dma_wait3A_106, %dma_wait3A_107] : memref<2x16x80x128xi32, #tpu.memory_space<hbm>> -> memref<1x1x40x128xi32, #tpu.memory_space<hbm>>
      %dma_wait3A_109 = tpu.memref_squeeze %dma_wait3A_108 : memref<1x1x40x128xi32, #tpu.memory_space<hbm>> -> memref<40x128xi32, #tpu.memory_space<hbm>>
      tpu.wait_dma2 semaphore(%run_scoped3A : memref<!tpu.dma_semaphore, #tpu.memory_space<semaphore_mem>>) src(%dma_wait3A_109 : memref<40x128xi32, #tpu.memory_space<hbm>>) dst(%arg6 : memref<40x128xi32, #tpu.memory_space<vmem>>)
      tpu.yield
    }) : () -> ()
    "tpu.region"() ({
      %run_scoped3A = tpu.sem_alloc : memref<!tpu.dma_semaphore, #tpu.memory_space<semaphore_mem>>
      %dma_start3A_94 = arith.constant 0 : i32
      %dma_start3A_95 = arith.constant 0 : i32
      %dma_start3A_96 = tpu.memref_slice %arg4[%arg1, %dma_start3A_94, %dma_start3A_95] : memref<16x80x128xi32, #tpu.memory_space<hbm>> -> memref<1x40x128xi32, #tpu.memory_space<hbm>>
      %dma_start3A_97 = tpu.memref_squeeze %dma_start3A_96 : memref<1x40x128xi32, #tpu.memory_space<hbm>> -> memref<40x128xi32, #tpu.memory_space<hbm>>
      %dma_start3A_98 = arith.constant 0 : i32
      %dma_start3A_99 = arith.constant 0 : i32
      %dma_start3A_100 = tpu.memref_slice %arg4[%arg1, %dma_start3A_98, %dma_start3A_99] : memref<16x80x128xi32, #tpu.memory_space<hbm>> -> memref<1x40x128xi32, #tpu.memory_space<hbm>>
      %dma_start3A_101 = tpu.memref_squeeze %dma_start3A_100 : memref<1x40x128xi32, #tpu.memory_space<hbm>> -> memref<40x128xi32, #tpu.memory_space<hbm>>
      tpu.enqueue_dma source(%dma_start3A_101 : memref<40x128xi32, #tpu.memory_space<hbm>>) target(%arg7 : memref<40x128xi32, #tpu.memory_space<vmem>>) target_semaphore(%run_scoped3A : memref<!tpu.dma_semaphore, #tpu.memory_space<semaphore_mem>>)
      %dma_wait3A_102 = arith.constant 0 : i32
      %dma_wait3A_103 = arith.constant 0 : i32
      %dma_wait3A_104 = tpu.memref_slice %arg4[%arg1, %dma_wait3A_102, %dma_wait3A_103] : memref<16x80x128xi32, #tpu.memory_space<hbm>> -> memref<1x40x128xi32, #tpu.memory_space<hbm>>
      %dma_wait3A_105 = tpu.memref_squeeze %dma_wait3A_104 : memref<1x40x128xi32, #tpu.memory_space<hbm>> -> memref<40x128xi32, #tpu.memory_space<hbm>>
      %dma_wait3A_106 = arith.constant 0 : i32
      %dma_wait3A_107 = arith.constant 0 : i32
      %dma_wait3A_108 = tpu.memref_slice %arg4[%arg1, %dma_wait3A_106, %dma_wait3A_107] : memref<16x80x128xi32, #tpu.memory_space<hbm>> -> memref<1x40x128xi32, #tpu.memory_space<hbm>>
      %dma_wait3A_109 = tpu.memref_squeeze %dma_wait3A_108 : memref<1x40x128xi32, #tpu.memory_space<hbm>> -> memref<40x128xi32, #tpu.memory_space<hbm>>
      tpu.wait_dma2 semaphore(%run_scoped3A : memref<!tpu.dma_semaphore, #tpu.memory_space<semaphore_mem>>) src(%dma_wait3A_109 : memref<40x128xi32, #tpu.memory_space<hbm>>) dst(%arg7 : memref<40x128xi32, #tpu.memory_space<vmem>>)
      tpu.yield
    }) : () -> ()
    %dma_start3A = arith.constant 0 : i32
    %dma_start3A_12 = arith.constant 0 : i32
    %dma_start3A_13 = arith.constant 0 : i32
    %dma_start3A_14 = arith.constant 0 : i32
    %dma_start3A_15 = arith.constant 0 : i32
    %dma_start3A_16 = tpu.memref_slice %arg8[%dma_start3A_12, %dma_start3A_14, %dma_start3A_15] : memref<2x128x128xf32, #tpu.memory_space<vmem>> -> memref<1x128x128xf32, #tpu.memory_space<vmem>>
    %dma_start3A_17 = tpu.memref_squeeze %dma_start3A_16 : memref<1x128x128xf32, #tpu.memory_space<vmem>> -> memref<128x128xf32, #tpu.memory_space<vmem>>
    %dma_start3A_18 = arith.constant 0 : i32
    %dma_start3A_19 = tpu.memref_slice %arg6[%dma_start3A, %dma_start3A_18] : memref<40x128xi32, #tpu.memory_space<vmem>> -> memref<1x128xi32, #tpu.memory_space<vmem>>
    %dma_start3A_20 = tpu.memref_squeeze %dma_start3A_19 : memref<1x128xi32, #tpu.memory_space<vmem>> -> memref<128xi32, #tpu.memory_space<vmem>>
    %dma_start3A_21 = arith.constant 0 : i32
    %dma_start3A_22 = arith.constant 0 : i32
    %dma_start3A_23 = tpu.memref_slice %arg2[%dma_start3A_21, %dma_start3A_22] : memref<20000x128xf32, #tpu.memory_space<hbm>> -> memref<20000x128xf32, #tpu.memory_space<hbm>>
    %dma_start3A_24 = tpu.memref_slice %arg10[%dma_start3A_13] : memref<2x!tpu.dma_semaphore, #tpu.memory_space<semaphore_mem>> -> memref<1x!tpu.dma_semaphore, #tpu.memory_space<semaphore_mem>>
    %dma_start3A_25 = tpu.memref_squeeze %dma_start3A_24 : memref<1x!tpu.dma_semaphore, #tpu.memory_space<semaphore_mem>> -> memref<!tpu.dma_semaphore, #tpu.memory_space<semaphore_mem>>
    tpu.enqueue_indirect_dma source(%dma_start3A_23 : memref<20000x128xf32, #tpu.memory_space<hbm>>) target(%dma_start3A_17 : memref<128x128xf32, #tpu.memory_space<vmem>>) offsets(%dma_start3A_20 : memref<128xi32, #tpu.memory_space<vmem>>) semaphore(%dma_start3A_25 : memref<!tpu.dma_semaphore, #tpu.memory_space<semaphore_mem>>)
    %scan3A_26 = arith.constant 0 : i32
    %scan3A_27 = arith.constant 0 : i32
    %scan3A_28 = arith.constant 40 : i32
    %scan3A_29 = arith.addi %scan3A_27, %scan3A_28 : i32
    %scan3A_30 = arith.constant 1 : i32
    scf.for %scan3A_94 = %scan3A_27 to %scan3A_29 step %scan3A_30  : i32 {
      %rem3A_95 = arith.constant 2 : i32
      %rem3A_96 = arith.remsi %scan3A_94, %rem3A_95 : i32
      %add3A = arith.constant 1 : i32
      %add3A_97 = arith.addi %scan3A_94, %add3A : i32
      %rem3A_98 = arith.constant 2 : i32
      %rem3A_99 = arith.remsi %add3A_97, %rem3A_98 : i32
      %ge3A = arith.constant 1 : i32
      %ge3A_100 = arith.cmpi sge, %scan3A_94, %ge3A : i32
      %convert_element_type3A_101 = arith.extui %ge3A_100 : i1 to i32
      %cond3A_102 = arith.constant 0 : i32
      %cond3A_103 = arith.cmpi ne, %convert_element_type3A_101, %cond3A_102 : i32
      scf.if %cond3A_103 {
        %sub3A = arith.constant 1 : i32
        %sub3A_135 = arith.subi %scan3A_94, %sub3A : i32
        %dma_wait3A_136 = arith.constant 0 : i32
        %dma_wait3A_137 = arith.constant 0 : i32
        %dma_wait3A_138 = tpu.memref_slice %arg8[%rem3A_99, %dma_wait3A_136, %dma_wait3A_137] : memref<2x128x128xf32, #tpu.memory_space<vmem>> -> memref<1x128x128xf32, #tpu.memory_space<vmem>>
        %dma_wait3A_139 = tpu.memref_squeeze %dma_wait3A_138 : memref<1x128x128xf32, #tpu.memory_space<vmem>> -> memref<128x128xf32, #tpu.memory_space<vmem>>
        %dma_wait3A_140 = arith.constant 0 : i32
        %dma_wait3A_141 = tpu.memref_slice %arg7[%sub3A_135, %dma_wait3A_140] : memref<40x128xi32, #tpu.memory_space<vmem>> -> memref<1x128xi32, #tpu.memory_space<vmem>>
        %dma_wait3A_142 = tpu.memref_squeeze %dma_wait3A_141 : memref<1x128xi32, #tpu.memory_space<vmem>> -> memref<128xi32, #tpu.memory_space<vmem>>
        %dma_wait3A_143 = arith.constant 0 : i32
        %dma_wait3A_144 = arith.constant 0 : i32
        %dma_wait3A_145 = tpu.memref_slice %arg9[%dma_wait3A_143, %dma_wait3A_144] : memref<10008x128xf32, #tpu.memory_space<vmem_shared>> -> memref<10008x128xf32, #tpu.memory_space<vmem_shared>>
        %dma_wait3A_146 = tpu.memref_slice %arg11[%rem3A_99] : memref<2x!tpu.dma_semaphore, #tpu.memory_space<semaphore_mem>> -> memref<1x!tpu.dma_semaphore, #tpu.memory_space<semaphore_mem>>
        %dma_wait3A_147 = tpu.memref_squeeze %dma_wait3A_146 : memref<1x!tpu.dma_semaphore, #tpu.memory_space<semaphore_mem>> -> memref<!tpu.dma_semaphore, #tpu.memory_space<semaphore_mem>>
        tpu.wait_indirect_dma semaphore(%dma_wait3A_147 : memref<!tpu.dma_semaphore, #tpu.memory_space<semaphore_mem>>) src(%dma_wait3A_139 : memref<128x128xf32, #tpu.memory_space<vmem>>) dst(%dma_wait3A_145 : memref<10008x128xf32, #tpu.memory_space<vmem_shared>>)
      } else {
      }
      %add3A_104 = arith.constant 1 : i32
      %add3A_105 = arith.addi %scan3A_94, %add3A_104 : i32
      %lt3A_106 = arith.constant 40 : i32
      %lt3A_107 = arith.cmpi slt, %add3A_105, %lt3A_106 : i32
      %convert_element_type3A_108 = arith.extui %lt3A_107 : i1 to i32
      %cond3A_109 = arith.constant 0 : i32
      %cond3A_110 = arith.cmpi ne, %convert_element_type3A_108, %cond3A_109 : i32
      scf.if %cond3A_110 {
        %add3A_135 = arith.constant 1 : i32
        %add3A_136 = arith.addi %scan3A_94, %add3A_135 : i32
        %dma_start3A_137 = arith.constant 0 : i32
        %dma_start3A_138 = arith.constant 0 : i32
        %dma_start3A_139 = tpu.memref_slice %arg8[%rem3A_99, %dma_start3A_137, %dma_start3A_138] : memref<2x128x128xf32, #tpu.memory_space<vmem>> -> memref<1x128x128xf32, #tpu.memory_space<vmem>>
        %dma_start3A_140 = tpu.memref_squeeze %dma_start3A_139 : memref<1x128x128xf32, #tpu.memory_space<vmem>> -> memref<128x128xf32, #tpu.memory_space<vmem>>
        %dma_start3A_141 = arith.constant 0 : i32
        %dma_start3A_142 = tpu.memref_slice %arg6[%add3A_136, %dma_start3A_141] : memref<40x128xi32, #tpu.memory_space<vmem>> -> memref<1x128xi32, #tpu.memory_space<vmem>>
        %dma_start3A_143 = tpu.memref_squeeze %dma_start3A_142 : memref<1x128xi32, #tpu.memory_space<vmem>> -> memref<128xi32, #tpu.memory_space<vmem>>
        %dma_start3A_144 = arith.constant 0 : i32
        %dma_start3A_145 = arith.constant 0 : i32
        %dma_start3A_146 = tpu.memref_slice %arg2[%dma_start3A_144, %dma_start3A_145] : memref<20000x128xf32, #tpu.memory_space<hbm>> -> memref<20000x128xf32, #tpu.memory_space<hbm>>
        %dma_start3A_147 = tpu.memref_slice %arg10[%rem3A_99] : memref<2x!tpu.dma_semaphore, #tpu.memory_space<semaphore_mem>> -> memref<1x!tpu.dma_semaphore, #tpu.memory_space<semaphore_mem>>
        %dma_start3A_148 = tpu.memref_squeeze %dma_start3A_147 : memref<1x!tpu.dma_semaphore, #tpu.memory_space<semaphore_mem>> -> memref<!tpu.dma_semaphore, #tpu.memory_space<semaphore_mem>>
        tpu.enqueue_indirect_dma source(%dma_start3A_146 : memref<20000x128xf32, #tpu.memory_space<hbm>>) target(%dma_start3A_140 : memref<128x128xf32, #tpu.memory_space<vmem>>) offsets(%dma_start3A_143 : memref<128xi32, #tpu.memory_space<vmem>>) semaphore(%dma_start3A_148 : memref<!tpu.dma_semaphore, #tpu.memory_space<semaphore_mem>>)
      } else {
      }
      %dma_wait3A_111 = arith.constant 0 : i32
      %dma_wait3A_112 = arith.constant 0 : i32
      %dma_wait3A_113 = tpu.memref_slice %arg8[%rem3A_96, %dma_wait3A_111, %dma_wait3A_112] : memref<2x128x128xf32, #tpu.memory_space<vmem>> -> memref<1x128x128xf32, #tpu.memory_space<vmem>>
      %dma_wait3A_114 = tpu.memref_squeeze %dma_wait3A_113 : memref<1x128x128xf32, #tpu.memory_space<vmem>> -> memref<128x128xf32, #tpu.memory_space<vmem>>
      %dma_wait3A_115 = arith.constant 0 : i32
      %dma_wait3A_116 = tpu.memref_slice %arg6[%scan3A_94, %dma_wait3A_115] : memref<40x128xi32, #tpu.memory_space<vmem>> -> memref<1x128xi32, #tpu.memory_space<vmem>>
      %dma_wait3A_117 = tpu.memref_squeeze %dma_wait3A_116 : memref<1x128xi32, #tpu.memory_space<vmem>> -> memref<128xi32, #tpu.memory_space<vmem>>
      %dma_wait3A_118 = arith.constant 0 : i32
      %dma_wait3A_119 = arith.constant 0 : i32
      %dma_wait3A_120 = tpu.memref_slice %arg2[%dma_wait3A_118, %dma_wait3A_119] : memref<20000x128xf32, #tpu.memory_space<hbm>> -> memref<20000x128xf32, #tpu.memory_space<hbm>>
      %dma_wait3A_121 = tpu.memref_slice %arg10[%rem3A_96] : memref<2x!tpu.dma_semaphore, #tpu.memory_space<semaphore_mem>> -> memref<1x!tpu.dma_semaphore, #tpu.memory_space<semaphore_mem>>
      %dma_wait3A_122 = tpu.memref_squeeze %dma_wait3A_121 : memref<1x!tpu.dma_semaphore, #tpu.memory_space<semaphore_mem>> -> memref<!tpu.dma_semaphore, #tpu.memory_space<semaphore_mem>>
      tpu.wait_indirect_dma semaphore(%dma_wait3A_122 : memref<!tpu.dma_semaphore, #tpu.memory_space<semaphore_mem>>) src(%dma_wait3A_120 : memref<20000x128xf32, #tpu.memory_space<hbm>>) dst(%dma_wait3A_114 : memref<128x128xf32, #tpu.memory_space<vmem>>)
      %dma_start3A_123 = arith.constant 0 : i32
      %dma_start3A_124 = arith.constant 0 : i32
      %dma_start3A_125 = tpu.memref_slice %arg8[%rem3A_96, %dma_start3A_123, %dma_start3A_124] : memref<2x128x128xf32, #tpu.memory_space<vmem>> -> memref<1x128x128xf32, #tpu.memory_space<vmem>>
      %dma_start3A_126 = tpu.memref_squeeze %dma_start3A_125 : memref<1x128x128xf32, #tpu.memory_space<vmem>> -> memref<128x128xf32, #tpu.memory_space<vmem>>
      %dma_start3A_127 = arith.constant 0 : i32
      %dma_start3A_128 = tpu.memref_slice %arg7[%scan3A_94, %dma_start3A_127] : memref<40x128xi32, #tpu.memory_space<vmem>> -> memref<1x128xi32, #tpu.memory_space<vmem>>
      %dma_start3A_129 = tpu.memref_squeeze %dma_start3A_128 : memref<1x128xi32, #tpu.memory_space<vmem>> -> memref<128xi32, #tpu.memory_space<vmem>>
      %dma_start3A_130 = arith.constant 0 : i32
      %dma_start3A_131 = arith.constant 0 : i32
      %dma_start3A_132 = tpu.memref_slice %arg9[%dma_start3A_130, %dma_start3A_131] : memref<10008x128xf32, #tpu.memory_space<vmem_shared>> -> memref<10008x128xf32, #tpu.memory_space<vmem_shared>>
      %dma_start3A_133 = tpu.memref_slice %arg11[%rem3A_96] : memref<2x!tpu.dma_semaphore, #tpu.memory_space<semaphore_mem>> -> memref<1x!tpu.dma_semaphore, #tpu.memory_space<semaphore_mem>>
      %dma_start3A_134 = tpu.memref_squeeze %dma_start3A_133 : memref<1x!tpu.dma_semaphore, #tpu.memory_space<semaphore_mem>> -> memref<!tpu.dma_semaphore, #tpu.memory_space<semaphore_mem>>
      tpu.enqueue_indirect_dma source(%dma_start3A_126 : memref<128x128xf32, #tpu.memory_space<vmem>>) target(%dma_start3A_132 : memref<10008x128xf32, #tpu.memory_space<vmem_shared>>) offsets(%dma_start3A_129 : memref<128xi32, #tpu.memory_space<vmem>>) semaphore(%dma_start3A_134 : memref<!tpu.dma_semaphore, #tpu.memory_space<semaphore_mem>>) {add = true}
    }
    %scan3A_31 = arith.constant 40 : i32
    %rem3A = arith.constant 39 : i32
    %rem3A_32 = arith.constant 2 : i32
    %rem3A_33 = arith.remsi %rem3A, %rem3A_32 : i32
    %dma_wait3A = arith.constant 39 : i32
    %dma_wait3A_34 = arith.constant 0 : i32
    %dma_wait3A_35 = arith.constant 0 : i32
    %dma_wait3A_36 = tpu.memref_slice %arg8[%rem3A_33, %dma_wait3A_34, %dma_wait3A_35] : memref<2x128x128xf32, #tpu.memory_space<vmem>> -> memref<1x128x128xf32, #tpu.memory_space<vmem>>
    %dma_wait3A_37 = tpu.memref_squeeze %dma_wait3A_36 : memref<1x128x128xf32, #tpu.memory_space<vmem>> -> memref<128x128xf32, #tpu.memory_space<vmem>>
    %dma_wait3A_38 = arith.constant 0 : i32
    %dma_wait3A_39 = tpu.memref_slice %arg7[%dma_wait3A, %dma_wait3A_38] : memref<40x128xi32, #tpu.memory_space<vmem>> -> memref<1x128xi32, #tpu.memory_space<vmem>>
    %dma_wait3A_40 = tpu.memref_squeeze %dma_wait3A_39 : memref<1x128xi32, #tpu.memory_space<vmem>> -> memref<128xi32, #tpu.memory_space<vmem>>
    %dma_wait3A_41 = arith.constant 0 : i32
    %dma_wait3A_42 = arith.constant 0 : i32
    %dma_wait3A_43 = tpu.memref_slice %arg9[%dma_wait3A_41, %dma_wait3A_42] : memref<10008x128xf32, #tpu.memory_space<vmem_shared>> -> memref<10008x128xf32, #tpu.memory_space<vmem_shared>>
    %dma_wait3A_44 = tpu.memref_slice %arg11[%rem3A_33] : memref<2x!tpu.dma_semaphore, #tpu.memory_space<semaphore_mem>> -> memref<1x!tpu.dma_semaphore, #tpu.memory_space<semaphore_mem>>
    %dma_wait3A_45 = tpu.memref_squeeze %dma_wait3A_44 : memref<1x!tpu.dma_semaphore, #tpu.memory_space<semaphore_mem>> -> memref<!tpu.dma_semaphore, #tpu.memory_space<semaphore_mem>>
    tpu.wait_indirect_dma semaphore(%dma_wait3A_45 : memref<!tpu.dma_semaphore, #tpu.memory_space<semaphore_mem>>) src(%dma_wait3A_37 : memref<128x128xf32, #tpu.memory_space<vmem>>) dst(%dma_wait3A_43 : memref<10008x128xf32, #tpu.memory_space<vmem_shared>>)
    "tpu.region"() ({
      %run_scoped3A = tpu.sem_alloc : memref<!tpu.dma_semaphore, #tpu.memory_space<semaphore_mem>>
      %dma_start3A_94 = arith.constant 40 : i32
      %dma_start3A_95 = arith.constant 0 : i32
      %dma_start3A_96 = tpu.memref_slice %arg3[%arg0, %arg1, %dma_start3A_94, %dma_start3A_95] : memref<2x16x80x128xi32, #tpu.memory_space<hbm>> -> memref<1x1x40x128xi32, #tpu.memory_space<hbm>>
      %dma_start3A_97 = tpu.memref_squeeze %dma_start3A_96 : memref<1x1x40x128xi32, #tpu.memory_space<hbm>> -> memref<40x128xi32, #tpu.memory_space<hbm>>
      %dma_start3A_98 = arith.constant 40 : i32
      %dma_start3A_99 = arith.constant 0 : i32
      %dma_start3A_100 = tpu.memref_slice %arg3[%arg0, %arg1, %dma_start3A_98, %dma_start3A_99] : memref<2x16x80x128xi32, #tpu.memory_space<hbm>> -> memref<1x1x40x128xi32, #tpu.memory_space<hbm>>
      %dma_start3A_101 = tpu.memref_squeeze %dma_start3A_100 : memref<1x1x40x128xi32, #tpu.memory_space<hbm>> -> memref<40x128xi32, #tpu.memory_space<hbm>>
      tpu.enqueue_dma source(%dma_start3A_101 : memref<40x128xi32, #tpu.memory_space<hbm>>) target(%arg6 : memref<40x128xi32, #tpu.memory_space<vmem>>) target_semaphore(%run_scoped3A : memref<!tpu.dma_semaphore, #tpu.memory_space<semaphore_mem>>)
      %dma_wait3A_102 = arith.constant 40 : i32
      %dma_wait3A_103 = arith.constant 0 : i32
      %dma_wait3A_104 = tpu.memref_slice %arg3[%arg0, %arg1, %dma_wait3A_102, %dma_wait3A_103] : memref<2x16x80x128xi32, #tpu.memory_space<hbm>> -> memref<1x1x40x128xi32, #tpu.memory_space<hbm>>
      %dma_wait3A_105 = tpu.memref_squeeze %dma_wait3A_104 : memref<1x1x40x128xi32, #tpu.memory_space<hbm>> -> memref<40x128xi32, #tpu.memory_space<hbm>>
      %dma_wait3A_106 = arith.constant 40 : i32
      %dma_wait3A_107 = arith.constant 0 : i32
      %dma_wait3A_108 = tpu.memref_slice %arg3[%arg0, %arg1, %dma_wait3A_106, %dma_wait3A_107] : memref<2x16x80x128xi32, #tpu.memory_space<hbm>> -> memref<1x1x40x128xi32, #tpu.memory_space<hbm>>
      %dma_wait3A_109 = tpu.memref_squeeze %dma_wait3A_108 : memref<1x1x40x128xi32, #tpu.memory_space<hbm>> -> memref<40x128xi32, #tpu.memory_space<hbm>>
      tpu.wait_dma2 semaphore(%run_scoped3A : memref<!tpu.dma_semaphore, #tpu.memory_space<semaphore_mem>>) src(%dma_wait3A_109 : memref<40x128xi32, #tpu.memory_space<hbm>>) dst(%arg6 : memref<40x128xi32, #tpu.memory_space<vmem>>)
      tpu.yield
    }) : () -> ()
    "tpu.region"() ({
      %run_scoped3A = tpu.sem_alloc : memref<!tpu.dma_semaphore, #tpu.memory_space<semaphore_mem>>
      %dma_start3A_94 = arith.constant 40 : i32
      %dma_start3A_95 = arith.constant 0 : i32
      %dma_start3A_96 = tpu.memref_slice %arg4[%arg1, %dma_start3A_94, %dma_start3A_95] : memref<16x80x128xi32, #tpu.memory_space<hbm>> -> memref<1x40x128xi32, #tpu.memory_space<hbm>>
      %dma_start3A_97 = tpu.memref_squeeze %dma_start3A_96 : memref<1x40x128xi32, #tpu.memory_space<hbm>> -> memref<40x128xi32, #tpu.memory_space<hbm>>
      %dma_start3A_98 = arith.constant 40 : i32
      %dma_start3A_99 = arith.constant 0 : i32
      %dma_start3A_100 = tpu.memref_slice %arg4[%arg1, %dma_start3A_98, %dma_start3A_99] : memref<16x80x128xi32, #tpu.memory_space<hbm>> -> memref<1x40x128xi32, #tpu.memory_space<hbm>>
      %dma_start3A_101 = tpu.memref_squeeze %dma_start3A_100 : memref<1x40x128xi32, #tpu.memory_space<hbm>> -> memref<40x128xi32, #tpu.memory_space<hbm>>
      tpu.enqueue_dma source(%dma_start3A_101 : memref<40x128xi32, #tpu.memory_space<hbm>>) target(%arg7 : memref<40x128xi32, #tpu.memory_space<vmem>>) target_semaphore(%run_scoped3A : memref<!tpu.dma_semaphore, #tpu.memory_space<semaphore_mem>>)
      %dma_wait3A_102 = arith.constant 40 : i32
      %dma_wait3A_103 = arith.constant 0 : i32
      %dma_wait3A_104 = tpu.memref_slice %arg4[%arg1, %dma_wait3A_102, %dma_wait3A_103] : memref<16x80x128xi32, #tpu.memory_space<hbm>> -> memref<1x40x128xi32, #tpu.memory_space<hbm>>
      %dma_wait3A_105 = tpu.memref_squeeze %dma_wait3A_104 : memref<1x40x128xi32, #tpu.memory_space<hbm>> -> memref<40x128xi32, #tpu.memory_space<hbm>>
      %dma_wait3A_106 = arith.constant 40 : i32
      %dma_wait3A_107 = arith.constant 0 : i32
      %dma_wait3A_108 = tpu.memref_slice %arg4[%arg1, %dma_wait3A_106, %dma_wait3A_107] : memref<16x80x128xi32, #tpu.memory_space<hbm>> -> memref<1x40x128xi32, #tpu.memory_space<hbm>>
      %dma_wait3A_109 = tpu.memref_squeeze %dma_wait3A_108 : memref<1x40x128xi32, #tpu.memory_space<hbm>> -> memref<40x128xi32, #tpu.memory_space<hbm>>
      tpu.wait_dma2 semaphore(%run_scoped3A : memref<!tpu.dma_semaphore, #tpu.memory_space<semaphore_mem>>) src(%dma_wait3A_109 : memref<40x128xi32, #tpu.memory_space<hbm>>) dst(%arg7 : memref<40x128xi32, #tpu.memory_space<vmem>>)
      tpu.yield
    }) : () -> ()
    %dma_start3A_46 = arith.constant 0 : i32
    %dma_start3A_47 = arith.constant 0 : i32
    %dma_start3A_48 = arith.constant 0 : i32
    %dma_start3A_49 = arith.constant 0 : i32
    %dma_start3A_50 = arith.constant 0 : i32
    %dma_start3A_51 = tpu.memref_slice %arg8[%dma_start3A_47, %dma_start3A_49, %dma_start3A_50] : memref<2x128x128xf32, #tpu.memory_space<vmem>> -> memref<1x128x128xf32, #tpu.memory_space<vmem>>
    %dma_start3A_52 = tpu.memref_squeeze %dma_start3A_51 : memref<1x128x128xf32, #tpu.memory_space<vmem>> -> memref<128x128xf32, #tpu.memory_space<vmem>>
    %dma_start3A_53 = arith.constant 0 : i32
    %dma_start3A_54 = tpu.memref_slice %arg6[%dma_start3A_46, %dma_start3A_53] : memref<40x128xi32, #tpu.memory_space<vmem>> -> memref<1x128xi32, #tpu.memory_space<vmem>>
    %dma_start3A_55 = tpu.memref_squeeze %dma_start3A_54 : memref<1x128xi32, #tpu.memory_space<vmem>> -> memref<128xi32, #tpu.memory_space<vmem>>
    %dma_start3A_56 = arith.constant 0 : i32
    %dma_start3A_57 = arith.constant 0 : i32
    %dma_start3A_58 = tpu.memref_slice %arg2[%dma_start3A_56, %dma_start3A_57] : memref<20000x128xf32, #tpu.memory_space<hbm>> -> memref<20000x128xf32, #tpu.memory_space<hbm>>
    %dma_start3A_59 = tpu.memref_slice %arg10[%dma_start3A_48] : memref<2x!tpu.dma_semaphore, #tpu.memory_space<semaphore_mem>> -> memref<1x!tpu.dma_semaphore, #tpu.memory_space<semaphore_mem>>
    %dma_start3A_60 = tpu.memref_squeeze %dma_start3A_59 : memref<1x!tpu.dma_semaphore, #tpu.memory_space<semaphore_mem>> -> memref<!tpu.dma_semaphore, #tpu.memory_space<semaphore_mem>>
    tpu.enqueue_indirect_dma source(%dma_start3A_58 : memref<20000x128xf32, #tpu.memory_space<hbm>>) target(%dma_start3A_52 : memref<128x128xf32, #tpu.memory_space<vmem>>) offsets(%dma_start3A_55 : memref<128xi32, #tpu.memory_space<vmem>>) semaphore(%dma_start3A_60 : memref<!tpu.dma_semaphore, #tpu.memory_space<semaphore_mem>>)
    %scan3A_61 = arith.constant 0 : i32
    %scan3A_62 = arith.constant 0 : i32
    %scan3A_63 = arith.constant 40 : i32
    %scan3A_64 = arith.addi %scan3A_62, %scan3A_63 : i32
    %scan3A_65 = arith.constant 1 : i32
    scf.for %scan3A_94 = %scan3A_62 to %scan3A_64 step %scan3A_65  : i32 {
      %rem3A_95 = arith.constant 2 : i32
      %rem3A_96 = arith.remsi %scan3A_94, %rem3A_95 : i32
      %add3A = arith.constant 1 : i32
      %add3A_97 = arith.addi %scan3A_94, %add3A : i32
      %rem3A_98 = arith.constant 2 : i32
      %rem3A_99 = arith.remsi %add3A_97, %rem3A_98 : i32
      %ge3A = arith.constant 1 : i32
      %ge3A_100 = arith.cmpi sge, %scan3A_94, %ge3A : i32
      %convert_element_type3A_101 = arith.extui %ge3A_100 : i1 to i32
      %cond3A_102 = arith.constant 0 : i32
      %cond3A_103 = arith.cmpi ne, %convert_element_type3A_101, %cond3A_102 : i32
      scf.if %cond3A_103 {
        %sub3A = arith.constant 1 : i32
        %sub3A_135 = arith.subi %scan3A_94, %sub3A : i32
        %dma_wait3A_136 = arith.constant 0 : i32
        %dma_wait3A_137 = arith.constant 0 : i32
        %dma_wait3A_138 = tpu.memref_slice %arg8[%rem3A_99, %dma_wait3A_136, %dma_wait3A_137] : memref<2x128x128xf32, #tpu.memory_space<vmem>> -> memref<1x128x128xf32, #tpu.memory_space<vmem>>
        %dma_wait3A_139 = tpu.memref_squeeze %dma_wait3A_138 : memref<1x128x128xf32, #tpu.memory_space<vmem>> -> memref<128x128xf32, #tpu.memory_space<vmem>>
        %dma_wait3A_140 = arith.constant 0 : i32
        %dma_wait3A_141 = tpu.memref_slice %arg7[%sub3A_135, %dma_wait3A_140] : memref<40x128xi32, #tpu.memory_space<vmem>> -> memref<1x128xi32, #tpu.memory_space<vmem>>
        %dma_wait3A_142 = tpu.memref_squeeze %dma_wait3A_141 : memref<1x128xi32, #tpu.memory_space<vmem>> -> memref<128xi32, #tpu.memory_space<vmem>>
        %dma_wait3A_143 = arith.constant 0 : i32
        %dma_wait3A_144 = arith.constant 0 : i32
        %dma_wait3A_145 = tpu.memref_slice %arg9[%dma_wait3A_143, %dma_wait3A_144] : memref<10008x128xf32, #tpu.memory_space<vmem_shared>> -> memref<10008x128xf32, #tpu.memory_space<vmem_shared>>
        %dma_wait3A_146 = tpu.memref_slice %arg11[%rem3A_99] : memref<2x!tpu.dma_semaphore, #tpu.memory_space<semaphore_mem>> -> memref<1x!tpu.dma_semaphore, #tpu.memory_space<semaphore_mem>>
        %dma_wait3A_147 = tpu.memref_squeeze %dma_wait3A_146 : memref<1x!tpu.dma_semaphore, #tpu.memory_space<semaphore_mem>> -> memref<!tpu.dma_semaphore, #tpu.memory_space<semaphore_mem>>
        tpu.wait_indirect_dma semaphore(%dma_wait3A_147 : memref<!tpu.dma_semaphore, #tpu.memory_space<semaphore_mem>>) src(%dma_wait3A_139 : memref<128x128xf32, #tpu.memory_space<vmem>>) dst(%dma_wait3A_145 : memref<10008x128xf32, #tpu.memory_space<vmem_shared>>)
      } else {
      }
      %add3A_104 = arith.constant 1 : i32
      %add3A_105 = arith.addi %scan3A_94, %add3A_104 : i32
      %lt3A_106 = arith.constant 40 : i32
      %lt3A_107 = arith.cmpi slt, %add3A_105, %lt3A_106 : i32
      %convert_element_type3A_108 = arith.extui %lt3A_107 : i1 to i32
      %cond3A_109 = arith.constant 0 : i32
      %cond3A_110 = arith.cmpi ne, %convert_element_type3A_108, %cond3A_109 : i32
      scf.if %cond3A_110 {
        %add3A_135 = arith.constant 1 : i32
        %add3A_136 = arith.addi %scan3A_94, %add3A_135 : i32
        %dma_start3A_137 = arith.constant 0 : i32
        %dma_start3A_138 = arith.constant 0 : i32
        %dma_start3A_139 = tpu.memref_slice %arg8[%rem3A_99, %dma_start3A_137, %dma_start3A_138] : memref<2x128x128xf32, #tpu.memory_space<vmem>> -> memref<1x128x128xf32, #tpu.memory_space<vmem>>
        %dma_start3A_140 = tpu.memref_squeeze %dma_start3A_139 : memref<1x128x128xf32, #tpu.memory_space<vmem>> -> memref<128x128xf32, #tpu.memory_space<vmem>>
        %dma_start3A_141 = arith.constant 0 : i32
        %dma_start3A_142 = tpu.memref_slice %arg6[%add3A_136, %dma_start3A_141] : memref<40x128xi32, #tpu.memory_space<vmem>> -> memref<1x128xi32, #tpu.memory_space<vmem>>
        %dma_start3A_143 = tpu.memref_squeeze %dma_start3A_142 : memref<1x128xi32, #tpu.memory_space<vmem>> -> memref<128xi32, #tpu.memory_space<vmem>>
        %dma_start3A_144 = arith.constant 0 : i32
        %dma_start3A_145 = arith.constant 0 : i32
        %dma_start3A_146 = tpu.memref_slice %arg2[%dma_start3A_144, %dma_start3A_145] : memref<20000x128xf32, #tpu.memory_space<hbm>> -> memref<20000x128xf32, #tpu.memory_space<hbm>>
        %dma_start3A_147 = tpu.memref_slice %arg10[%rem3A_99] : memref<2x!tpu.dma_semaphore, #tpu.memory_space<semaphore_mem>> -> memref<1x!tpu.dma_semaphore, #tpu.memory_space<semaphore_mem>>
        %dma_start3A_148 = tpu.memref_squeeze %dma_start3A_147 : memref<1x!tpu.dma_semaphore, #tpu.memory_space<semaphore_mem>> -> memref<!tpu.dma_semaphore, #tpu.memory_space<semaphore_mem>>
        tpu.enqueue_indirect_dma source(%dma_start3A_146 : memref<20000x128xf32, #tpu.memory_space<hbm>>) target(%dma_start3A_140 : memref<128x128xf32, #tpu.memory_space<vmem>>) offsets(%dma_start3A_143 : memref<128xi32, #tpu.memory_space<vmem>>) semaphore(%dma_start3A_148 : memref<!tpu.dma_semaphore, #tpu.memory_space<semaphore_mem>>)
      } else {
      }
      %dma_wait3A_111 = arith.constant 0 : i32
      %dma_wait3A_112 = arith.constant 0 : i32
      %dma_wait3A_113 = tpu.memref_slice %arg8[%rem3A_96, %dma_wait3A_111, %dma_wait3A_112] : memref<2x128x128xf32, #tpu.memory_space<vmem>> -> memref<1x128x128xf32, #tpu.memory_space<vmem>>
      %dma_wait3A_114 = tpu.memref_squeeze %dma_wait3A_113 : memref<1x128x128xf32, #tpu.memory_space<vmem>> -> memref<128x128xf32, #tpu.memory_space<vmem>>
      %dma_wait3A_115 = arith.constant 0 : i32
      %dma_wait3A_116 = tpu.memref_slice %arg6[%scan3A_94, %dma_wait3A_115] : memref<40x128xi32, #tpu.memory_space<vmem>> -> memref<1x128xi32, #tpu.memory_space<vmem>>
      %dma_wait3A_117 = tpu.memref_squeeze %dma_wait3A_116 : memref<1x128xi32, #tpu.memory_space<vmem>> -> memref<128xi32, #tpu.memory_space<vmem>>
      %dma_wait3A_118 = arith.constant 0 : i32
      %dma_wait3A_119 = arith.constant 0 : i32
      %dma_wait3A_120 = tpu.memref_slice %arg2[%dma_wait3A_118, %dma_wait3A_119] : memref<20000x128xf32, #tpu.memory_space<hbm>> -> memref<20000x128xf32, #tpu.memory_space<hbm>>
      %dma_wait3A_121 = tpu.memref_slice %arg10[%rem3A_96] : memref<2x!tpu.dma_semaphore, #tpu.memory_space<semaphore_mem>> -> memref<1x!tpu.dma_semaphore, #tpu.memory_space<semaphore_mem>>
      %dma_wait3A_122 = tpu.memref_squeeze %dma_wait3A_121 : memref<1x!tpu.dma_semaphore, #tpu.memory_space<semaphore_mem>> -> memref<!tpu.dma_semaphore, #tpu.memory_space<semaphore_mem>>
      tpu.wait_indirect_dma semaphore(%dma_wait3A_122 : memref<!tpu.dma_semaphore, #tpu.memory_space<semaphore_mem>>) src(%dma_wait3A_120 : memref<20000x128xf32, #tpu.memory_space<hbm>>) dst(%dma_wait3A_114 : memref<128x128xf32, #tpu.memory_space<vmem>>)
      %dma_start3A_123 = arith.constant 0 : i32
      %dma_start3A_124 = arith.constant 0 : i32
      %dma_start3A_125 = tpu.memref_slice %arg8[%rem3A_96, %dma_start3A_123, %dma_start3A_124] : memref<2x128x128xf32, #tpu.memory_space<vmem>> -> memref<1x128x128xf32, #tpu.memory_space<vmem>>
      %dma_start3A_126 = tpu.memref_squeeze %dma_start3A_125 : memref<1x128x128xf32, #tpu.memory_space<vmem>> -> memref<128x128xf32, #tpu.memory_space<vmem>>
      %dma_start3A_127 = arith.constant 0 : i32
      %dma_start3A_128 = tpu.memref_slice %arg7[%scan3A_94, %dma_start3A_127] : memref<40x128xi32, #tpu.memory_space<vmem>> -> memref<1x128xi32, #tpu.memory_space<vmem>>
      %dma_start3A_129 = tpu.memref_squeeze %dma_start3A_128 : memref<1x128xi32, #tpu.memory_space<vmem>> -> memref<128xi32, #tpu.memory_space<vmem>>
      %dma_start3A_130 = arith.constant 0 : i32
      %dma_start3A_131 = arith.constant 0 : i32
      %dma_start3A_132 = tpu.memref_slice %arg9[%dma_start3A_130, %dma_start3A_131] : memref<10008x128xf32, #tpu.memory_space<vmem_shared>> -> memref<10008x128xf32, #tpu.memory_space<vmem_shared>>
      %dma_start3A_133 = tpu.memref_slice %arg11[%rem3A_96] : memref<2x!tpu.dma_semaphore, #tpu.memory_space<semaphore_mem>> -> memref<1x!tpu.dma_semaphore, #tpu.memory_space<semaphore_mem>>
      %dma_start3A_134 = tpu.memref_squeeze %dma_start3A_133 : memref<1x!tpu.dma_semaphore, #tpu.memory_space<semaphore_mem>> -> memref<!tpu.dma_semaphore, #tpu.memory_space<semaphore_mem>>
      tpu.enqueue_indirect_dma source(%dma_start3A_126 : memref<128x128xf32, #tpu.memory_space<vmem>>) target(%dma_start3A_132 : memref<10008x128xf32, #tpu.memory_space<vmem_shared>>) offsets(%dma_start3A_129 : memref<128xi32, #tpu.memory_space<vmem>>) semaphore(%dma_start3A_134 : memref<!tpu.dma_semaphore, #tpu.memory_space<semaphore_mem>>) {add = true}
    }
    %scan3A_66 = arith.constant 40 : i32
    %rem3A_67 = arith.constant 39 : i32
    %rem3A_68 = arith.constant 2 : i32
    %rem3A_69 = arith.remsi %rem3A_67, %rem3A_68 : i32
    %dma_wait3A_70 = arith.constant 39 : i32
    %dma_wait3A_71 = arith.constant 0 : i32
    %dma_wait3A_72 = arith.constant 0 : i32
    %dma_wait3A_73 = tpu.memref_slice %arg8[%rem3A_69, %dma_wait3A_71, %dma_wait3A_72] : memref<2x128x128xf32, #tpu.memory_space<vmem>> -> memref<1x128x128xf32, #tpu.memory_space<vmem>>
    %dma_wait3A_74 = tpu.memref_squeeze %dma_wait3A_73 : memref<1x128x128xf32, #tpu.memory_space<vmem>> -> memref<128x128xf32, #tpu.memory_space<vmem>>
    %dma_wait3A_75 = arith.constant 0 : i32
    %dma_wait3A_76 = tpu.memref_slice %arg7[%dma_wait3A_70, %dma_wait3A_75] : memref<40x128xi32, #tpu.memory_space<vmem>> -> memref<1x128xi32, #tpu.memory_space<vmem>>
    %dma_wait3A_77 = tpu.memref_squeeze %dma_wait3A_76 : memref<1x128xi32, #tpu.memory_space<vmem>> -> memref<128xi32, #tpu.memory_space<vmem>>
    %dma_wait3A_78 = arith.constant 0 : i32
    %dma_wait3A_79 = arith.constant 0 : i32
    %dma_wait3A_80 = tpu.memref_slice %arg9[%dma_wait3A_78, %dma_wait3A_79] : memref<10008x128xf32, #tpu.memory_space<vmem_shared>> -> memref<10008x128xf32, #tpu.memory_space<vmem_shared>>
    %dma_wait3A_81 = tpu.memref_slice %arg11[%rem3A_69] : memref<2x!tpu.dma_semaphore, #tpu.memory_space<semaphore_mem>> -> memref<1x!tpu.dma_semaphore, #tpu.memory_space<semaphore_mem>>
    %dma_wait3A_82 = tpu.memref_squeeze %dma_wait3A_81 : memref<1x!tpu.dma_semaphore, #tpu.memory_space<semaphore_mem>> -> memref<!tpu.dma_semaphore, #tpu.memory_space<semaphore_mem>>
    tpu.wait_indirect_dma semaphore(%dma_wait3A_82 : memref<!tpu.dma_semaphore, #tpu.memory_space<semaphore_mem>>) src(%dma_wait3A_74 : memref<128x128xf32, #tpu.memory_space<vmem>>) dst(%dma_wait3A_80 : memref<10008x128xf32, #tpu.memory_space<vmem_shared>>)
    %barrier3A_83 = arith.constant 0 : index
    tpu.barrier barrier_id(%barrier3A_83)
    %lt3A_84 = arith.constant 15 : i32
    %lt3A_85 = arith.cmpi slt, %arg1, %lt3A_84 : i32
    %convert_element_type3A_86 = arith.extui %lt3A_85 : i1 to i32
    %cond3A_87 = arith.constant 0 : i32
    %cond3A_88 = arith.cmpi ne, %convert_element_type3A_86, %cond3A_87 : i32
    scf.if %cond3A_88 {
      %mul3A = arith.constant 640 : i32
      %mul3A_94 = arith.muli %arg1, %mul3A : i32
      %mul3A_95 = arith.constant 640 : i32
      %mul3A_96 = arith.muli %arg1, %mul3A_95 : i32
      %mul3A_97 = arith.constant 128 : i32
      %mul3A_98 = arith.muli %arg0, %mul3A_97 : i32
      "tpu.region"() ({
        %run_scoped3A = tpu.sem_alloc : memref<!tpu.dma_semaphore, #tpu.memory_space<semaphore_mem>>
        %dma_start3A_99 = tpu.memref_slice %arg5[%mul3A_96, %mul3A_98] : memref<10000x256xf32, #tpu.memory_space<hbm>> -> memref<640x128xf32, #tpu.memory_space<hbm>>
        %dma_start3A_100 = arith.constant 0 : i32
        %dma_start3A_101 = tpu.memref_slice %arg9[%mul3A_94, %dma_start3A_100] : memref<10008x128xf32, #tpu.memory_space<vmem_shared>> -> memref<640x128xf32, #tpu.memory_space<vmem_shared>>
        tpu.enqueue_dma source(%dma_start3A_101 : memref<640x128xf32, #tpu.memory_space<vmem_shared>>) target(%dma_start3A_99 : memref<640x128xf32, #tpu.memory_space<hbm>>) target_semaphore(%run_scoped3A : memref<!tpu.dma_semaphore, #tpu.memory_space<semaphore_mem>>)
        %dma_wait3A_102 = tpu.memref_slice %arg5[%mul3A_96, %mul3A_98] : memref<10000x256xf32, #tpu.memory_space<hbm>> -> memref<640x128xf32, #tpu.memory_space<hbm>>
        %dma_wait3A_103 = arith.constant 0 : i32
        %dma_wait3A_104 = tpu.memref_slice %arg9[%mul3A_94, %dma_wait3A_103] : memref<10008x128xf32, #tpu.memory_space<vmem_shared>> -> memref<640x128xf32, #tpu.memory_space<vmem_shared>>
        tpu.wait_dma2 semaphore(%run_scoped3A : memref<!tpu.dma_semaphore, #tpu.memory_space<semaphore_mem>>) src(%dma_wait3A_104 : memref<640x128xf32, #tpu.memory_space<vmem_shared>>) dst(%dma_wait3A_102 : memref<640x128xf32, #tpu.memory_space<hbm>>)
        tpu.yield
      }) : () -> ()
    } else {
    }
    %eq3A_89 = arith.constant 15 : i32
    %eq3A_90 = arith.cmpi eq, %arg1, %eq3A_89 : i32
    %convert_element_type3A_91 = arith.extui %eq3A_90 : i1 to i32
    %cond3A_92 = arith.constant 0 : i32
    %cond3A_93 = arith.cmpi ne, %convert_element_type3A_91, %cond3A_92 : i32
    scf.if %cond3A_93 {
      %mul3A = arith.constant 128 : i32
      %mul3A_94 = arith.muli %arg0, %mul3A : i32
      "tpu.region"() ({
        %run_scoped3A = tpu.sem_alloc : memref<!tpu.dma_semaphore, #tpu.memory_space<semaphore_mem>>
        %dma_start3A_95 = arith.constant 9600 : i32
        %dma_start3A_96 = tpu.memref_slice %arg5[%dma_start3A_95, %mul3A_94] : memref<10000x256xf32, #tpu.memory_space<hbm>> -> memref<400x128xf32, #tpu.memory_space<hbm>>
        %dma_start3A_97 = arith.constant 9600 : i32
        %dma_start3A_98 = arith.constant 0 : i32
        %dma_start3A_99 = tpu.memref_slice %arg9[%dma_start3A_97, %dma_start3A_98] : memref<10008x128xf32, #tpu.memory_space<vmem_shared>> -> memref<400x128xf32, #tpu.memory_space<vmem_shared>>
        tpu.enqueue_dma source(%dma_start3A_99 : memref<400x128xf32, #tpu.memory_space<vmem_shared>>) target(%dma_start3A_96 : memref<400x128xf32, #tpu.memory_space<hbm>>) target_semaphore(%run_scoped3A : memref<!tpu.dma_semaphore, #tpu.memory_space<semaphore_mem>>)
        %dma_wait3A_100 = arith.constant 9600 : i32
        %dma_wait3A_101 = tpu.memref_slice %arg5[%dma_wait3A_100, %mul3A_94] : memref<10000x256xf32, #tpu.memory_space<hbm>> -> memref<400x128xf32, #tpu.memory_space<hbm>>
        %dma_wait3A_102 = arith.constant 9600 : i32
        %dma_wait3A_103 = arith.constant 0 : i32
        %dma_wait3A_104 = tpu.memref_slice %arg9[%dma_wait3A_102, %dma_wait3A_103] : memref<10008x128xf32, #tpu.memory_space<vmem_shared>> -> memref<400x128xf32, #tpu.memory_space<vmem_shared>>
        tpu.wait_dma2 semaphore(%run_scoped3A : memref<!tpu.dma_semaphore, #tpu.memory_space<semaphore_mem>>) src(%dma_wait3A_104 : memref<400x128xf32, #tpu.memory_space<vmem_shared>>) dst(%dma_wait3A_101 : memref<400x128xf32, #tpu.memory_space<hbm>>)
        tpu.yield
      }) : () -> ()
    } else {
    }
    return
  }
}

module attributes {stable_mosaic.version = 14 : i64} {
  func.func @_mm_body(%arg0: i32, %arg1: i32, %arg2: memref<10000x512xf32, #tpu.memory_space<vmem>>, %arg3: memref<128x512xf32, #tpu.memory_space<vmem>>, %arg4: memref<10000x128xf32, #tpu.memory_space<vmem>>) attributes {dimension_semantics = [#tpu.dimension_semantics<arbitrary>, #tpu.dimension_semantics<arbitrary>], iteration_bounds = array<i64: 2, 1>, scalar_prefetch = 0 : i64, scratch_operands = 0 : i64, tpu.core_type = #tpu.core_type<tc>, window_params = [{transform_indices = @transform_0, window_bounds = array<i64: 10000, 512>}, {transform_indices = @transform_1, window_bounds = array<i64: 128, 512>}, {transform_indices = @transform_2, window_bounds = array<i64: 10000, 128>}]} {
    %get3A = arith.constant 0 : index
    %get3A_0 = arith.constant 0 : index
    %get3A_1 = vector.load %arg2[%get3A, %get3A_0] : memref<10000x512xf32, #tpu.memory_space<vmem>>, vector<10000x512xf32>
    %get3A_2 = arith.constant 0 : index
    %get3A_3 = arith.constant 0 : index
    %get3A_4 = vector.load %arg3[%get3A_2, %get3A_3] : memref<128x512xf32, #tpu.memory_space<vmem>>, vector<128x512xf32>
    %dot_general3A = arith.constant dense<0.000000e+00> : vector<10000x128xf32>
    %dot_general3A_5 = tpu.matmul %get3A_1, %get3A_4, %dot_general3A {dimension_numbers = #tpu.dot_dimension_numbers<[1], [1], [0], [0], [0, 0, 1, 0], [], []>, transpose_lhs_hint = false} : vector<10000x512xf32>, vector<128x512xf32>, vector<10000x128xf32> -> vector<10000x128xf32>
    %swap3A = arith.constant 0 : index
    %swap3A_6 = arith.constant 0 : index
    %swap3A_7 = vector.load %arg4[%swap3A, %swap3A_6] : memref<10000x128xf32, #tpu.memory_space<vmem>>, vector<10000x128xf32>
    tpu.vector_store %arg4[%swap3A, %swap3A_6], %dot_general3A_5 {strides = array<i32>} : memref<10000x128xf32, #tpu.memory_space<vmem>>, vector<10000x128xf32>,
    return
  }
  func.func @transform_0(%arg0: i32, %arg1: i32) -> (i32, i32) {
    %c0_i32 = arith.constant 0 : i32
    %c0_i32_0 = arith.constant 0 : i32
    return %arg1, %c0_i32 : i32, i32
  }
  func.func @transform_1(%arg0: i32, %arg1: i32) -> (i32, i32) {
    %c0_i32 = arith.constant 0 : i32
    %c0_i32_0 = arith.constant 0 : i32
    return %arg0, %c0_i32 : i32, i32
  }
  func.func @transform_2(%arg0: i32, %arg1: i32) -> (i32, i32) {
    %mul3A = arith.constant 1 : i32
    %mul3A_0 = arith.muli %arg0, %mul3A : i32
    %add3A = arith.addi %mul3A_0, %arg1 : i32
    %c0_i32 = arith.constant 0 : i32
    %c0_i32_1 = arith.constant 0 : i32
    return %add3A, %c0_i32 : i32, i32
  }
}

</mosaic_0001>

<sc_bundles>
// kernel: kernel.4.cloned.1.call-start
scs
__scs_entry_jumppad:
0x0: {  	(pc) =	sbr.rel $0x88, $3  }
0x1: {  	(tag) =	ssettag $0x0;
	lr =	simm.s32 $0x1  }
0x2: {  	[smem:$0x3F9E] =	sst lr;
	_ =	strace $0xD0000000  }
0x3: {  	_ = 	snop  }
0x4: {  	_ = 	snop  }
0x5: {  	_ = 	snop  }
0x6: {  	_ = 	snop  }
0x7: {  	_ = 	snop  }
__scs_overlays_trampoline_lowered:
0x8: {  	[smem:$0x3FAD] =	sst s0  }
0x9: {  	[smem:$0x3FAE] =	sst s1  }
0xa: {  	[smem:$0x3FAF] =	sst s2  }
0xb: {  	[smem:$0x3FB0] =	sst s3  }
0xc: {  	[smem:$0x3FB1] =	sst s4  }
0xd: {  	[smem:$0x3FB2] =	sst s5  }
0xe: {  	[smem:$0x3FB3] =	sst s6  }
0xf: {  	[smem:$0x3FB4] =	sst s7  }
0x10: {  	[smem:$0x3FB5] =	sst s8  }
0x11: {  	[smem:$0x3FB6] =	sst s9;
	s0 =	simm.s32 @!p0 $0x0  }
0x12: {  	s1 =	sld [smem:$0x3F9C];
	s0 =	simm.s32 @p0 $0x1  }
0x13: {  	[smem:$0x3FB7] =	sst s0;
	s0 =	simm.s32 @!p1 $0x0  }
0x14: {  	s2 =	sld [smem:$0x3F9B];
	s0 =	simm.s32 @p1 $0x1  }
0x15: {  	[smem:$0x3FB8] =	sst s0;
	s0 =	simm.s32 @!p2 $0x0  }
0x16: {  	s3 =	sld [smem:$0x3FDB];
	s0 =	simm.s32 @p2 $0x1  }
0x17: {  	s4 =	simm.s32 $0x1BF5;
	[smem:$0x3FBA] =	sst s0  }
0x18: {  	s0 =	sld [smem:$0x3F9D];
	_ =	swait.ge [sflag:s4], $0x0  }
0x19: {  	s7 =	sld [smem:$0x3F9E]  }
0x1a: {  	s8 =	sadd.s32 $0xFFFFE003, lr  }
0x1b: {  	s9 =	sadd.s32 $0xFFFFFEF7, lr;
	s5 =	simm.s32 $0xFFFFFFFF;
	p2 =	slt.u32 s8, $0xFFFFF086  }
0x1c: {  	p1 =	slt.u32 s9, $0xF7A;
	s5 =	simm.s32 @!p2 $0x0  }
0x1d: {  	s5 =	simm.s32 @p1 $0x1;
	p0 =	seq.s32 s7, s2  }
0x1e: {  	s7 =	smul.u32 @!p0 $0xF7A, s2;
	p2 =	seq.s32 @!p0 s5, $0x0  }
0x1f: {  	s9 =	smul.u32 $0xF7A, s1;
	s8 =	simm.s32 @!p0 $0x1BF5;
	p2 =	por !p2, p0  }
0x20: {  	[sflag:s8] =	ssyncset.s32 @!p0 $0xFFFFF086;
	s6 =	sadd.s32 @!p0 s3, s7;
	s7 =	simm.s32 @!p0 $0x108  }
0x21: {  	s3 =	sadd.s32 s3, s9;
	s6 =	sadd.s32 @!p0 $0x88, s6;
	s7 =	simm.s32 @p2 $0x1082  }
0x22: {  	[simem:s7], [sflag:s8] =	dma.local @!p0 [hbm:s6], $0xF7A  }
0x23: {  	s9 =	sor.u32 $0xD0000000, s2;
	s6 =	simm.s32 $0x108;
	_ =	swait.ge @!p0 [sflag:s8], $0x0  }
0x24: {  	s3 =	sadd.s32 $0x88, s3;
	s6 =	simm.s32 @!p1 $0x1082;
	[sflag:s4] =	ssyncset.s32 $0xFFFFF086  }
0x25: {  	[simem:s6], [sflag:s4] =	dma.local [hbm:s3], $0xF7A  }
0x26: {  	[smem:$0x3F9E] =	sst s1;
	(tag) =	ssettag s2;
	_ =	strace s9  }
0x27: {  	s1 =	sld [smem:$0x3FAE]  }
0x28: {  	s2 =	sld [smem:$0x3FAF]  }
0x29: {  	s4 =	sld [smem:$0x3FB1]  }
0x2a: {  	p0 =	seq.s32 s5, $0x0;
	s5 =	sld [smem:$0x3FB2]  }
0x2b: {  	s6 =	sld [smem:$0x3FB3]  }
0x2c: {  	s7 =	sld [smem:$0x3FB4]  }
0x2d: {  	s3 =	simm.s32 $0x108;
	s8 =	sld [smem:$0x3FB5]  }
0x2e: {  	s3 =	simm.s32 @!p0 $0x1082;
	s9 =	sld [smem:$0x3FB6]  }
0x2f: {  	lr =	sadd.s32 s0, s3;
	s0 =	sld [smem:$0x3FAD]  }
0x30: {  	s3 =	sld [smem:$0x3FB0]  }
0x31: {  	[smem:$0x3FB9] =	sst s10  }
0x32: {  	s10 =	sld [smem:$0x3FB7];
	_ =	sdelay $0x3  }
0x33: {  	p0 =	seq.s32 s10, $0x1;
	s10 =	sld [smem:$0x3FB9];
	_ =	sdelay $0x3  }
0x34: {  	[smem:$0x3FB9] =	sst s10  }
0x35: {  	s10 =	sld [smem:$0x3FB8];
	_ =	sdelay $0x3  }
0x36: {  	p1 =	seq.s32 s10, $0x1;
	s10 =	sld [smem:$0x3FB9];
	_ =	sdelay $0x3  }
0x37: {  	[smem:$0x3FB9] =	sst s10  }
0x38: {  	s10 =	sld [smem:$0x3FBA]  }
0x39: {  	_ = 	snop;
	(pc) =	sbr.ind lr, $3  }
0x3a: {  	_ = 	snop  }
0x3b: {  	_ = 	snop  }
0x3c: {  	p2 =	seq.s32 s10, $0x1;
	s10 =	sld [smem:$0x3FB9]  }
0x3d: {  	_ =	shalt  }
0x3e: {  	_ =	shalt  }
0x3f: {  	_ =	shalt  }
0x40: {  	_ =	shalt  }
0x41: {  	_ =	shalt  }
0x42: {  	_ =	shalt  }
0x43: {  	_ =	shalt  }
0x44: {  	_ =	shalt  }
0x45: {  	_ =	shalt  }
0x46: {  	_ =	shalt  }
0x47: {  	_ =	shalt  }
0x48: {  	_ =	shalt  }
0x49: {  	_ =	shalt  }
0x4a: {  	_ =	shalt  }
0x4b: {  	_ =	shalt  }
0x4c: {  	_ =	shalt  }
0x4d: {  	_ =	shalt  }
0x4e: {  	_ =	shalt  }
0x4f: {  	_ =	shalt  }
0x50: {  	_ =	shalt  }
0x51: {  	_ =	shalt  }
0x52: {  	_ =	shalt  }
0x53: {  	_ =	shalt  }
0x54: {  	_ =	shalt  }
0x55: {  	_ =	shalt  }
0x56: {  	_ =	shalt  }
0x57: {  	_ =	shalt  }
0x58: {  	_ =	shalt  }
0x59: {  	_ =	shalt  }
0x5a: {  	_ =	shalt  }
0x5b: {  	_ =	shalt  }
0x5c: {  	_ =	shalt  }
0x5d: {  	_ =	shalt  }
0x5e: {  	_ =	shalt  }
0x5f: {  	_ =	shalt  }
0x60: {  	_ =	shalt  }
0x61: {  	_ =	shalt  }
0x62: {  	_ =	shalt  }
0x63: {  	_ =	shalt  }
0x64: {  	_ =	shalt  }
0x65: {  	_ =	shalt  }
0x66: {  	_ =	shalt  }
0x67: {  	_ =	shalt  }
0x68: {  	_ =	shalt  }
0x69: {  	_ =	shalt  }
0x6a: {  	_ =	shalt  }
0x6b: {  	_ =	shalt  }
0x6c: {  	_ =	shalt  }
0x6d: {  	_ =	shalt  }
0x6e: {  	_ =	shalt  }
0x6f: {  	_ =	shalt  }
0x70: {  	_ =	shalt  }
0x71: {  	_ =	shalt  }
0x72: {  	_ =	shalt  }
0x73: {  	_ =	shalt  }
0x74: {  	_ =	shalt  }
0x75: {  	_ =	shalt  }
0x76: {  	_ =	shalt  }
0x77: {  	_ =	shalt  }
0x78: {  	_ =	shalt  }
0x79: {  	_ =	shalt  }
0x7a: {  	_ =	shalt  }
0x7b: {  	_ =	shalt  }
0x7c: {  	_ =	shalt  }
0x7d: {  	_ =	shalt  }
0x7e: {  	_ =	shalt  }
0x7f: {  	_ =	shalt  }
0x80: {  	_ =	shalt  }
0x81: {  	_ =	shalt  }
0x82: {  	_ =	shalt  }
0x83: {  	_ =	shalt  }
0x84: {  	_ =	shalt  }
0x85: {  	_ =	shalt  }
0x86: {  	_ =	shalt  }
0x87: {  	_ =	shalt  }
.Lfunc_end0:
.L_simem_size_0:
called_computation_lowered:
.L_overlay_start_0:
0x88: {  	s2 =	sld [smem:$0x3FD9]  }
0x89: {  	s3 =	sld [smem:$0x3FFE];
	_ =	sdelay $0x1  }
0x8a: {  	s1 =	srdreg.scid  }
0x8b: {  	s0 =	sand.u32 $0x1, s1  }
0x8c: {  	s17 =	sshll.u32 s0, $0xA;
	s2 =	sadd.s32 s3, s2  }
0x8d: {  	s2 =	sadd.s32 s2, s17  }
0x8e: {  	[smem:$0x3FC5] =	sst s2  }
0x8f: {  	_ = 	snop  }
0x90: {  	s2 =	sld [smem:$0x3FD0];
	(tm) =	ssettm $0x1  }
0x91: {  	s18 =	sld [smem:$0x3FFB];
	_ =	sdelay $0x3  }
0x92: {  	_ =	strace s18  }
0x93: {  	s3 =	sld [smem:$0x3FFC];
	_ =	sdelay $0x3  }
0x94: {  	_ =	strace s3  }
0x95: {  	s3 =	sld [smem:$0x3FFD];
	_ =	sdelay $0x3  }
0x96: {  	_ =	strace s3  }
0x97: {  	_ =	strace $0x8FFFFFFF  }
0x98: {  	s19 =	sld [smem:$0x3FDB];
	_ =	sdelay $0x1  }
0x99: {  	s4 =	simm.s32 $_scs_section_size  }
0x9a: {  	s5 =	simm.s32 $_size__tile_overlayer_lowered;
	s6 =	simm.s32 $_tile_overlayer_lowered  }
0x9b: {  	s22 =	simm.s32 $0x1BFF;
	s21 =	sshll.u32 s6, $0x1;
	s3 =	sadd.s32 s4, s19  }
0x9c: {  	s7 =	simm.s32 $0x0;
	s20 =	sshll.u32 s5, $0x1;
	s5 =	sadd.s32 s21, s3  }
0x9d: {  	[timem:s7], [sflag:s22] =	dma.local [hbm:s5], s20  }
0x9e: {  	_ =	swait.ge [sflag:s22], s20  }
0x9f: {  	s4 =	ssub.s32 $0x0, s20;
	[sflag:s22] =	ssyncset.done $0x0  }
0xa0: {  	[sflag:s22] =	ssyncadd.s32 s4;
	_ =	sdelay $0x1  }
0xa1: {  	s23 =	simm.s32 $0x1B8B  }
0xa2: {  	_ =	swait.ge [sflag:s23], $0x1  }
0xa3: {  	[sflag:s23] =	ssyncset.done $0x0  }
0xa4: {  	s25 =	simm.s32 $0x1B8E;
	s24 =	sld [smem:$0x3FFE];
	[sflag:s23] =	ssyncadd.s32 $0xFFFFFFFF  }
0xa5: {  	s26 =	simm.s32 $execute0_lowered;
	[smem:$0x3FD2] =	sst s25  }
0xa6: {  	s5 =	sshll.u32 s26, $0x1;
	_ =	strace $0x80000046;
	[dreg:$0x1] =	wrdreg $0xFFFFFFFF  }
0xa7: {  	s28 =	simm.s32 $_size_execute0_lowered;
	s3 =	sadd.s32 s3, s5;
	[dreg:$0x0] =	wrdreg $0x0  }
0xa8: {  	s5 =	sshll.u32 s28, $0x1;
	[dreg:$0x2] =	wrdreg s3  }
0xa9: {  	[dreg:$0x3] =	wrdreg s5  }
0xaa: {  	[dreg:$0x4] =	wrdreg $0xC0  }
0xab: {  	_ =	task [dreg:s7], $0x5FFFF  }
0xac: {  	[dreg:$0x1] =	wrdreg $0xFFFFFFFF  }
0xad: {  	[dreg:$0x0] =	wrdreg $0x60  }
0xae: {  	[dreg:$0x2] =	wrdreg s24  }
0xaf: {  	[dreg:$0x3] =	wrdreg s2  }
0xb0: {  	[dreg:$0x4] =	wrdreg $0xA8000  }
0xb1: {  	[dreg:$0x5] =	wrdreg $0x9  }
0xb2: {  	_ =	task.clear_ibuf [dreg:s7], $0x6FFFF;
	_ =	strace $0x90000046  }
0xb3: {  	s29 =	simm.s32 $0x9;
	_ =	strace $0x80000048  }
0xb4: {  	_ =	swait.ge [sflag:s29], $0x1  }
0xb5: {  	[sflag:s29] =	ssyncadd.s32 $0xFFFFFFFF  }
0xb6: {  	_ =	strace $0x90000048  }
0xb7: {  	_ =	sfence  }
0xb8: {  	s30 =	sld [smem:$0x0];
	_ =	sdelay $0x2  }
0xb9: {  	s31 =	sshll.u32 s1, $0xD;
	s1 =	sshrl.u32 s1, $0x2  }
0xba: {  	s3 =	sand.u32 $0x4000, s31;
	s1 =	sadd.s32 s1, s30  }
0xbb: {  	s0 =	sor.u32 s3, s0;
	s1 =	sshll.u32 s1, $0x11  }
0xbc: {  	s0 =	sor.u32 s1, s0  }
0xbd: {  	s0 =	sadd.s32 $0x8F2B, s0  }
0xbe: {  	[sflag:s0] =	ssyncadd.remote.s32 $0x1  }
0xbf: {  	_ =	sfence.sel $0xFFFF  }
0xc0: {  	[dreg:$0x0] =	wrdreg $0xFFFFFFFF;
	(pc) =	sbr.abs _section_cstart, $3  }
0xc1: {  	[dreg:$0x1] =	wrdreg $0xFFFFFFFF  }
0xc2: {  	_ =	task.clear_ibuf [dreg:s7], $0x2FFFF;
	_ =	strace $0x9FFFFFFF  }
0xc3: {  	(tm) =	ssettm $0x7FFFFFFF  }
tec
execute0_lowered:
.L_overlay_start_1:
0x0: {  	(tag) =	ssettag $0x1  }
0x1: {  	s1 =	rddreg [dreg:$0x0]  }
0x2: {  	s0 =	srdreg.scid;
	s6 =	rddreg [dreg:$0x1]  }
0x3: {  	s12 =	stileid.u32;
	s2 =	rddreg [dreg:$0x2]  }
0x4: {  	s3 =	simm.s32 $0x0;
	s28 =	simm.s32 $0x2780;
	s29 =	simm.s32 $0x4  }
0x5: {  	s30 =	simm.s32 $0x2;
	s31 =	simm.s32 $0x0;
	s5 =	smul.u32 $0x2800, s12  }
0x6: {  	s0 =	sand.u32 $0x1, s0;
	[smem:$0x7FF] =	sst s3;
	s8 =	smul.u32 $0x50000, s12  }
0x7: {  	s22 =	sadd.s32 $0x130000, s2;
	s23 =	sadd.s32 $0x134000, s2;
	s24 =	smul.u32 $0x28000, s12  }
0x8: {  	s11 =	sadd.s32 $0x138000, s2;
	_ =	strace $0x80000047;
	[dreg:$0x8] =	wrdreg s22  }
0x9: {  	p0 =	seq.s32 s12, $0xF;
	s4 =	smul.u32 $0x28000, s0;
	[dreg:$0x9] =	wrdreg s23  }
0xa: {  	s9 =	ssub.s32 $0x2, s0;
	[dreg:$0xa] =	wrdreg s11;
	s25 =	sshll.u32 s0, $0xA  }
0xb: {  	s0 =	sshll.u32 s0, $0x7;
	s22 =	simm.s32 $0x1400;
	s23 =	simm.s32 $0x80  }
0xc: {  	s8 =	sshrl.u32 s8, $0x2;
	s10 =	sshrl.u32 s9, $0x1;
	s0 =	sadd.s32 s0, s6  }
0xd: {  	s4 =	sadd.s32 s5, s4;
	s5 =	sshrl.u32 s5, $0x3;
	s13 =	ssub.s32 s9, s10  }
0xe: {  	s10 =	sadd.s32 $0x12C000, s2;
	s9 =	sor.u32 s25, s24;
	s24 =	simm.s32 $0x2800  }
0xf: {  	s25 =	simm.s32 $0x6800;
	s7 =	sshrl.u32 s4, $0x3;
	s4 =	sadd.s32 $0xF200, s1  }
0x10: {  	s7 =	sadd.s32 s7, s1;
	s1 =	sadd.s32 s5, s1;
	s5 =	sadd.s32 s8, s2  }
0x11: {  	s26 =	sshrl.u32 s9, $0x3;
	s18 =	sadd.s32 $0x4000, s5;
	s19 =	sadd.s32 $0x8000, s5  }
0x12: {  	s20 =	sadd.s32 $0xC000, s5;
	s21 =	sadd.s32 $0x10000, s5;
	[dreg:$0x4] =	wrdreg s18  }
0x13: {  	s14 =	sadd.s32 $0x5200, s7;
	s15 =	sadd.s32 $0x200, s1;
	[dreg:$0x5] =	wrdreg s19  }
0x14: {  	s16 =	sadd.s32 $0x5480, s7;
	s17 =	sadd.s32 $0x480, s1;
	[dreg:$0x6] =	wrdreg s20  }
0x15: {  	[dreg:$0x7] =	wrdreg s21;
	s18 =	sadd.s32 s6, s26;
	s19 =	sadd.s32 $0x4B000, s0  }
0x16: {  	v0 =	vimm.f32 $0.0e+00;
	s20 =	smax.u32 s13, $0x1;
	s21 =	simm.s32 $0x5;
	s26 =	simm.s32 $0x1  }
.LBB2_1:
0x17: {  	s0 =	simm.s32 $0x10;
	s1 =	sand.u32 $0x3FF0, s3  }
.LBB2_2:
0x18: {  	p1 =	sne.s32 s0, $0x3FF0;
	[tilespmem:s1+$0x2800] =	vst v0;
	s1 =	smov.u32 s0;
	s0 =	sadd.s32 $0x10, s0  }
.Ltmp0:
0x19: {  	(pc) =	sbr.rel @p1 .LBB2_2-.Ltmp0, $2  }
0x1a: {  	_ =	sdelay $0x2  }
0x1b: {  	s1 =	sand.u32 $0x3FF0, s1  }
0x1c: {  	[tilespmem:s1+$0x2800] =	vst v0;
	s0 =	simm.s32 @p0 $0x2800;
	s1 =	simm.s32 @p0 $0x5  }
0x1d: {  	[spmem:s10] =	stream.linear.scatter @p0 [tilespmem:s0], [sflag:$0x5], $0x4000, $0x38;
	[tilespmem:$0x1E0C0] =	vst v63  }
0x1e: {  	_ =	swait.ge @p0 [sflag:s1], $0x4000  }
0x1f: {  	[sflag:s1] =	ssyncset.done @p0 $0x0  }
0x20: {  	s6 =	rddreg [dreg:$0x8];
	[sflag:s1] =	ssyncadd.s32 @p0 $0xFFFFC000  }
0x21: {  	[spmem:s6] =	stream.linear.scatter @p0 [tilespmem:s0], [sflag:$0x5], $0x4000, $0x38;
	[tilespmem:$0x1E0C0] =	vst v63  }
0x22: {  	_ =	swait.ge @p0 [sflag:s1], $0x4000  }
0x23: {  	[sflag:s1] =	ssyncset.done @p0 $0x0  }
0x24: {  	s6 =	rddreg [dreg:$0x9];
	[sflag:s1] =	ssyncadd.s32 @p0 $0xFFFFC000  }
0x25: {  	[spmem:s6] =	stream.linear.scatter @p0 [tilespmem:s0], [sflag:$0x5], $0x4000, $0x38;
	[tilespmem:$0x1E0C0] =	vst v63  }
0x26: {  	_ =	swait.ge @p0 [sflag:s1], $0x4000  }
0x27: {  	[sflag:s1] =	ssyncset.done @p0 $0x0  }
0x28: {  	s6 =	rddreg [dreg:$0xa];
	[sflag:s1] =	ssyncadd.s32 @p0 $0xFFFFC000  }
0x29: {  	[spmem:s6] =	stream.linear.scatter @p0 [tilespmem:s0], [sflag:$0x5], $0x800, $0x38;
	[tilespmem:$0x1E0C0] =	vst v63  }
0x2a: {  	_ =	swait.ge @p0 [sflag:s1], $0x800  }
0x2b: {  	[sflag:s1] =	ssyncset.done @p0 $0x0  }
0x2c: {  	s0 =	simm.s32 @!p0 $0x2800;
	[sflag:s1] =	ssyncadd.s32 @p0 $0xFFFFF800;
	s1 =	simm.s32 @!p0 $0x5  }
0x2d: {  	[spmem:s5] =	stream.linear.scatter @!p0 [tilespmem:s0], [sflag:$0x5], $0x4000, $0x38;
	[tilespmem:$0x1E0C0] =	vst v63  }
0x2e: {  	_ =	swait.ge @!p0 [sflag:s1], $0x4000  }
0x2f: {  	[sflag:s1] =	ssyncset.done @!p0 $0x0  }
0x30: {  	s6 =	rddreg [dreg:$0x4];
	[sflag:s1] =	ssyncadd.s32 @!p0 $0xFFFFC000  }
0x31: {  	[spmem:s6] =	stream.linear.scatter @!p0 [tilespmem:s0], [sflag:$0x5], $0x4000, $0x38;
	[tilespmem:$0x1E0C0] =	vst v63  }
0x32: {  	_ =	swait.ge @!p0 [sflag:s1], $0x4000  }
0x33: {  	[sflag:s1] =	ssyncset.done @!p0 $0x0  }
0x34: {  	s6 =	rddreg [dreg:$0x5];
	[sflag:s1] =	ssyncadd.s32 @!p0 $0xFFFFC000  }
0x35: {  	[spmem:s6] =	stream.linear.scatter @!p0 [tilespmem:s0], [sflag:$0x5], $0x4000, $0x38;
	[tilespmem:$0x1E0C0] =	vst v63  }
0x36: {  	_ =	swait.ge @!p0 [sflag:s1], $0x4000  }
0x37: {  	[sflag:s1] =	ssyncset.done @!p0 $0x0  }
0x38: {  	s6 =	rddreg [dreg:$0x6];
	[sflag:s1] =	ssyncadd.s32 @!p0 $0xFFFFC000  }
0x39: {  	[spmem:s6] =	stream.linear.scatter @!p0 [tilespmem:s0], [sflag:$0x5], $0x4000, $0x38;
	[tilespmem:$0x1E0C0] =	vst v63  }
0x3a: {  	_ =	swait.ge @!p0 [sflag:s1], $0x4000  }
0x3b: {  	[sflag:s1] =	ssyncset.done @!p0 $0x0  }
0x3c: {  	s6 =	rddreg [dreg:$0x7];
	[sflag:s1] =	ssyncadd.s32 @!p0 $0xFFFFC000  }
0x3d: {  	[spmem:s6] =	stream.linear.scatter @!p0 [tilespmem:s0], [sflag:$0x5], $0x4000, $0x38;
	[tilespmem:$0x1E0C0] =	vst v63  }
0x3e: {  	_ =	swait.ge @!p0 [sflag:s1], $0x4000  }
0x3f: {  	[sflag:s1] =	ssyncset.done @!p0 $0x0  }
0x40: {  	[sflag:s1] =	ssyncadd.s32 @!p0 $0xFFFFC000  }
0x41: {  	[bflag:$0x0] =	sbarrier.arrive $0xFFFF  }
0x42: {  	[tilespmem:s3], [sflag:$0x5] =	stream.linear.gather [hbm4b:s14+s3], $0x1400, $0x38;
	[tilespmem:$0x1E0C0] =	vst v63  }
0x43: {  	_ =	swait.ge [sflag:s21], $0x1400  }
0x44: {  	[sflag:s21] =	ssyncset.done $0x0  }
0x45: {  	[sflag:s21] =	ssyncadd.s32 $0xFFFFEC00  }
0x46: {  	[tilespmem:s22], [sflag:$0x5] =	stream.linear.gather [hbm4b:s15+s3], $0x1400, $0x38;
	[tilespmem:$0x1E0C0] =	vst v63  }
0x47: {  	_ =	swait.ge [sflag:s21], $0x1400  }
0x48: {  	[sflag:s21] =	ssyncset.done $0x0  }
0x49: {  	[sflag:s21] =	ssyncadd.s32 $0xFFFFEC00  }
0x4a: {  	[tilespmem:s24], [sflag:$0x1] =	stream.indirect.gather [hbm4b:s4+s23], $0x80, s3, s23, $0xb8;
	[tilespmem:$0x1E0C0] =	vst v63  }
0x4b: {  	s8 =	simm.s32 $0x2  }
0x4c: {  	[tilespmem:s25], [sflag:$0x2] =	stream.indirect.gather [hbm4b:s4+s23], $0x80, s23, s23, $0xb8;
	[tilespmem:$0x1E0C0] =	vst v63  }
0x4d: {  	s0 =	sand.u32 $0x1, s8;
	_ =	swait.ge [sflag:s26], $0x4000  }
0x4e: {  	s8 =	simm.s32 $0x1;
	s6 =	simm.s32 $0x3;
	[sflag:s26] =	ssyncset.done $0x0  }
0x4f: {  	s9 =	sadd.s32 $0x3, s0;
	s7 =	sshll.u32 s0, $0xE;
	[sflag:s26] =	ssyncadd.s32 $0xFFFFC000  }
0x50: {  	[spmem:s2] =	stream.indirect.scatter.add.f32 [tilespmem:s24], [sflag:$0x3], $0x80, s22, s23, $0xb8;
	[tilespmem:$0x1E0C0] =	vst v63  }
0x51: {  	s0 =	sadd.s32 $0x1, s0;
	s11 =	sand.u32 $0x1, s8;
	_ =	swait.ge [sflag:s9], $0x4000  }
0x52: {  	s12 =	sor.u32 $0x2800, s7;
	s13 =	sshll.u32 s11, $0xE;
	[sflag:s9] =	ssyncset.done $0x0  }
0x53: {  	s8 =	sadd.s32 $0x1, s11;
	s1 =	simm.s32 $0x100;
	[sflag:s9] =	ssyncadd.s32 $0xFFFFC000  }
0x54: {  	[tilespmem:s12], [sflag:s0] =	stream.indirect.gather [hbm4b:s4+s23], $0x80, s1, s23, $0xb8;
	[tilespmem:$0x1E0C0] =	vst v63  }
0x55: {  	s11 =	sadd.s32 $0x3, s11;
	s7 =	simm.s32 $0x1480;
	_ =	swait.ge [sflag:s8], $0x4000  }
0x56: {  	s9 =	sor.u32 $0x2800, s13;
	s0 =	simm.s32 $0x1480;
	[sflag:s8] =	ssyncset.done $0x0  }
.LBB2_4:
0x57: {  	[sflag:s8] =	ssyncadd.s32 $0xFFFFC000  }
0x58: {  	s0 =	sadd.s32 $0x80, s0;
	s1 =	sadd.s32 $0x80, s1;
	s8 =	smov.u32 s6  }
0x59: {  	[spmem:s2] =	stream.indirect.scatter.add.f32 [tilespmem:s9], [sflag:s11], $0x80, s7, s23, $0xb8;
	[tilespmem:$0x1E0C0] =	vst v63  }
0x5a: {  	p1 =	sne.s32 s6, $0x27;
	s6 =	sadd.s32 $0x1, s6;
	s9 =	sand.u32 $0x1, s8  }
0x5b: {  	s7 =	smov.u32 s0;
	s11 =	sadd.s32 $0x3, s9;
	s12 =	sshll.u32 s9, $0xE  }
0x5c: {  	s8 =	sadd.s32 $0xFFFFFFFF, s8;
	_ =	swait.ge [sflag:s11], $0x4000  }
0x5d: {  	s9 =	sadd.s32 $0x1, s9;
	s13 =	sand.u32 $0x1, s8;
	[sflag:s11] =	ssyncset.done $0x0  }
.Ltmp1:
0x5e: {  	s8 =	sor.u32 $0x2800, s12;
	[sflag:s11] =	ssyncadd.s32 $0xFFFFC000;
	(pc) =	sbr.rel @p1 .LBB2_4-.Ltmp1, $4  }
0x5f: {  	[tilespmem:s8], [sflag:s9] =	stream.indirect.gather [hbm4b:s4+s23], $0x80, s1, s23, $0xb8;
	[tilespmem:$0x1E0C0] =	vst v63  }
0x60: {  	s9 =	sshll.u32 s13, $0xE;
	s8 =	sadd.s32 $0x1, s13  }
0x61: {  	_ =	swait.ge [sflag:s8], $0x4000  }
0x62: {  	s11 =	sadd.s32 $0x3, s13;
	s9 =	sor.u32 $0x2800, s9;
	[sflag:s8] =	ssyncset.done $0x0  }
0x63: {  	[sflag:s8] =	ssyncadd.s32 $0xFFFFC000  }
0x64: {  	[spmem:s2] =	stream.indirect.scatter.add.f32 [tilespmem:s9], [sflag:s11], $0x80, s7, s23, $0xb8;
	[tilespmem:$0x1E0C0] =	vst v63  }
0x65: {  	_ =	swait.ge [sflag:s11], $0x4000  }
0x66: {  	[sflag:s11] =	ssyncset.done $0x0  }
0x67: {  	s0 =	simm.s32 $0x2;
	[sflag:s11] =	ssyncadd.s32 $0xFFFFC000  }
0x68: {  	_ =	swait.ge [sflag:s0], $0x4000  }
0x69: {  	[sflag:s0] =	ssyncset.done $0x0  }
0x6a: {  	[sflag:s0] =	ssyncadd.s32 $0xFFFFC000  }
0x6b: {  	[spmem:s2] =	stream.indirect.scatter.add.f32 [tilespmem:s25], [sflag:$0x4], $0x80, s28, s23, $0xb8;
	[tilespmem:$0x1E0C0] =	vst v63  }
0x6c: {  	_ =	swait.ge [sflag:s29], $0x4000  }
0x6d: {  	[sflag:s29] =	ssyncset.done $0x0  }
0x6e: {  	[sflag:s29] =	ssyncadd.s32 $0xFFFFC000  }
0x6f: {  	[tilespmem:s3], [sflag:$0x5] =	stream.linear.gather [hbm4b:s16+s3], $0x1400, $0x38;
	[tilespmem:$0x1E0C0] =	vst v63  }
0x70: {  	_ =	swait.ge [sflag:s21], $0x1400  }
0x71: {  	[sflag:s21] =	ssyncset.done $0x0  }
0x72: {  	[sflag:s21] =	ssyncadd.s32 $0xFFFFEC00  }
0x73: {  	[tilespmem:s22], [sflag:$0x5] =	stream.linear.gather [hbm4b:s17+s3], $0x1400, $0x38;
	[tilespmem:$0x1E0C0] =	vst v63  }
0x74: {  	_ =	swait.ge [sflag:s21], $0x1400  }
0x75: {  	[sflag:s21] =	ssyncset.done $0x0  }
0x76: {  	[sflag:s21] =	ssyncadd.s32 $0xFFFFEC00  }
0x77: {  	[tilespmem:s24], [sflag:$0x1] =	stream.indirect.gather [hbm4b:s4+s23], $0x80, s3, s23, $0xb8;
	[tilespmem:$0x1E0C0] =	vst v63  }
0x78: {  	_ = 	snop  }
0x79: {  	[tilespmem:s25], [sflag:$0x2] =	stream.indirect.gather [hbm4b:s4+s23], $0x80, s23, s23, $0xb8;
	[tilespmem:$0x1E0C0] =	vst v63  }
0x7a: {  	s1 =	simm.s32 $0x100;
	_ =	swait.ge [sflag:s26], $0x4000  }
0x7b: {  	s11 =	simm.s32 $0x1;
	s0 =	sand.u32 $0x1, s0;
	[sflag:s26] =	ssyncset.done $0x0  }
0x7c: {  	s11 =	sand.u32 $0x1, s11;
	s6 =	sadd.s32 $0x3, s0;
	[sflag:s26] =	ssyncadd.s32 $0xFFFFC000  }
0x7d: {  	[spmem:s2] =	stream.indirect.scatter.add.f32 [tilespmem:s24], [sflag:$0x3], $0x80, s22, s23, $0xb8;
	[tilespmem:$0x1E0C0] =	vst v63  }
0x7e: {  	s7 =	simm.s32 $0x1480;
	s13 =	sshll.u32 s11, $0xE;
	_ =	swait.ge [sflag:s6], $0x4000  }
0x7f: {  	s8 =	sadd.s32 $0x1, s11;
	s9 =	sshll.u32 s0, $0xE;
	[sflag:s6] =	ssyncset.done $0x0  }
0x80: {  	s0 =	sadd.s32 $0x1, s0;
	s12 =	sor.u32 $0x2800, s9;
	[sflag:s6] =	ssyncadd.s32 $0xFFFFC000  }
0x81: {  	[tilespmem:s12], [sflag:s0] =	stream.indirect.gather [hbm4b:s4+s23], $0x80, s1, s23, $0xb8;
	[tilespmem:$0x1E0C0] =	vst v63  }
0x82: {  	s11 =	sadd.s32 $0x3, s11;
	s9 =	sor.u32 $0x2800, s13;
	_ =	swait.ge [sflag:s8], $0x4000  }
0x83: {  	s6 =	simm.s32 $0x3;
	s0 =	simm.s32 $0x1480;
	[sflag:s8] =	ssyncset.done $0x0  }
.LBB2_6:
0x84: {  	[sflag:s8] =	ssyncadd.s32 $0xFFFFC000  }
0x85: {  	s0 =	sadd.s32 $0x80, s0;
	s1 =	sadd.s32 $0x80, s1;
	s8 =	smov.u32 s6  }
0x86: {  	[spmem:s2] =	stream.indirect.scatter.add.f32 [tilespmem:s9], [sflag:s11], $0x80, s7, s23, $0xb8;
	[tilespmem:$0x1E0C0] =	vst v63  }
0x87: {  	p1 =	sne.s32 s6, $0x27;
	s6 =	sadd.s32 $0x1, s6;
	s9 =	sand.u32 $0x1, s8  }
0x88: {  	s7 =	smov.u32 s0;
	s11 =	sadd.s32 $0x3, s9;
	s12 =	sshll.u32 s9, $0xE  }
0x89: {  	s8 =	sadd.s32 $0xFFFFFFFF, s8;
	_ =	swait.ge [sflag:s11], $0x4000  }
0x8a: {  	s9 =	sadd.s32 $0x1, s9;
	s13 =	sand.u32 $0x1, s8;
	[sflag:s11] =	ssyncset.done $0x0  }
.Ltmp2:
0x8b: {  	s8 =	sor.u32 $0x2800, s12;
	[sflag:s11] =	ssyncadd.s32 $0xFFFFC000;
	(pc) =	sbr.rel @p1 .LBB2_6-.Ltmp2, $4  }
0x8c: {  	[tilespmem:s8], [sflag:s9] =	stream.indirect.gather [hbm4b:s4+s23], $0x80, s1, s23, $0xb8;
	[tilespmem:$0x1E0C0] =	vst v63  }
0x8d: {  	s9 =	sshll.u32 s13, $0xE;
	s8 =	sadd.s32 $0x1, s13  }
0x8e: {  	_ =	swait.ge [sflag:s8], $0x4000  }
0x8f: {  	s11 =	sadd.s32 $0x3, s13;
	s9 =	sor.u32 $0x2800, s9;
	[sflag:s8] =	ssyncset.done $0x0  }
0x90: {  	[sflag:s8] =	ssyncadd.s32 $0xFFFFC000  }
0x91: {  	[spmem:s2] =	stream.indirect.scatter.add.f32 [tilespmem:s9], [sflag:s11], $0x80, s7, s23, $0xb8;
	[tilespmem:$0x1E0C0] =	vst v63  }
0x92: {  	_ =	swait.ge [sflag:s11], $0x4000  }
0x93: {  	[sflag:s11] =	ssyncset.done $0x0  }
0x94: {  	[sflag:s11] =	ssyncadd.s32 $0xFFFFC000  }
0x95: {  	_ =	swait.ge [sflag:s30], $0x4000  }
0x96: {  	[sflag:s30] =	ssyncset.done $0x0  }
0x97: {  	[sflag:s30] =	ssyncadd.s32 $0xFFFFC000  }
0x98: {  	[spmem:s2] =	stream.indirect.scatter.add.f32 [tilespmem:s25], [sflag:$0x4], $0x80, s28, s23, $0xb8;
	[tilespmem:$0x1E0C0] =	vst v63  }
0x99: {  	_ =	swait.ge [sflag:s29], $0x4000  }
0x9a: {  	s0 =	sshrl.u32 @p0 s10, $0x3;
	s1 =	simm.s32 @p0 $0x8;
	[sflag:s29] =	ssyncset.done $0x0  }
0x9b: {  	s6 =	simm.s32 @p0 $0x100;
	s8 =	simm.s32 @p0 $0x1FC5;
	[sflag:s29] =	ssyncadd.s32 $0xFFFFC000  }
0x9c: {  	s31 =	sadd.s32 $0x1, s31;
	s7 =	simm.s32 @p0 $0x80;
	[bflag:$0x0] =	sbarrier.arrive $0xFFFF  }
0x9d: {  	[hbm:s19@s6], [sflag:s8] =	dma.strided @p0 [spmem:s0@s7], $0x1900, s1, $0x10   }
0x9e: {  	p1 =	sne.s32 s31, s20;
	s0 =	simm.s32 @p0 $0x5;
	s1 =	stileid.u32  }
0x9f: {  	s6 =	simm.s32 @!p0 $0x8;
	s7 =	simm.s32 @!p0 $0x100;
	_ =	swait.ge @p0 [sflag:s0], $0x1900  }
0xa0: {  	s8 =	simm.s32 @!p0 $0x80;
	s1 =	sshll.u32 @!p0 s1, $0x6;
	[sflag:s0] =	ssyncset.done @p0 $0x0  }
0xa1: {  	[sflag:s0] =	ssyncadd.s32 @p0 $0xFFFFE700;
	s0 =	sor.u32 @!p0 $0x1C05, s1;
	s1 =	sshrl.u32 @!p0 s5, $0x3  }
0xa2: {  	[hbm:s18@s7], [sflag:s0] =	dma.strided @!p0 [spmem:s1@s8], $0x2800, s6, $0x10   }
.Ltmp3:
0xa3: {  	_ = 	snop;
	(pc) =	sbr.rel @p1 .LBB2_1-.Ltmp3, $4  }
0xa4: {  	s0 =	simm.s32 @!p0 $0x5  }
0xa5: {  	_ =	swait.ge @!p0 [sflag:s0], $0x2800  }
0xa6: {  	[sflag:s0] =	ssyncset.done @!p0 $0x0  }
0xa7: {  	[sflag:s0] =	ssyncadd.s32 @!p0 $0xFFFFD800  }
0xa8: {  	_ =	sfence.sel $0x180000  }
0xa9: {  	[bflag:$0x0] =	sbarrier.arrive $0xFFFF  }
0xaa: {  	_ =	strace $0x90000047  }
0xab: {  	s0 =	stileid.u32;
	[bflag:$0x2] =	sbarrier.arrive $0xFFFF  }
0xac: {  	p0 =	sne.s32 s0, $0x0;
	s0 =	rddreg [dreg:$0x3]  }
0xad: {  	s0 =	sadd.s32 @!p0 $0x100000, s0  }
0xae: {  	[sflag:s0] =	ssyncadd.tile.s32 @!p0 $0x1;
	_ =	shalt  }
.Lfunc_end2:
_tile_overlayer_lowered:
.L_overlay_start_2:
0xaf: {  	(tag) =	ssettag $0x2  }
0xb0: {  	s0 =	rddreg [dreg:$0x0];
	s2 =	stileid.u32  }
0xb1: {  	s1 =	rddreg [dreg:$0x1];
	p0 =	sne.s32 s2, $0x0  }
0xb2: {  	s3 =	rddreg [dreg:$0x2];
	[bflag:$0x3] =	sbarrier.arrive $0xFFFF;
	s2 =	simm.s32 @!p0 $0x1C05  }
0xb3: {  	[timem:s3], [sflag:s2] =	dma.local @!p0 [hbm:s0], s1  }
0xb4: {  	s0 =	simm.s32 @!p0 $0x5  }
0xb5: {  	_ =	swait.ge @!p0 [sflag:s0], s1  }
0xb6: {  	s1 =	ssub.s32 @!p0 $0x0, s1;
	[sflag:s0] =	ssyncset.done @!p0 $0x0  }
0xb7: {  	[sflag:s0] =	ssyncadd.s32 @!p0 s1  }
0xb8: {  	[bflag:$0x3] =	sbarrier.arrive $0xFFFF  }
0xb9: {  	_ =	shalt  }

</sc_bundles>
